<compile_context>
chip_gen: v7x
topology: tpu7x:2x2x1
jax: 0.10.2.dev20260603
libtpu: 0.0.44.dev20260713+nightly
codegen_flags: <defaults>
</compile_context>

<pallas_src>
import functools

import jax
import jax.numpy as jnp
from jax import lax
from jax.experimental import pallas as pl
from jax.experimental.pallas import tpu as pltpu
from jax.experimental.pallas import tpu_sc as plsc

_B, _Q, _NT, _C = 8, 256, 32, 32
_WCE, _WBB, _WGI = 1.0, 5.0, 2.0
_L = 16


def _splat_i(v):
    return jnp.full((_L,), v, jnp.int32)


def _sc_body(
    x_hbm, pbT_hbm, tb_hbm, lbl_hbm, pcT_hbm, tcT_hbm, out_hbm,
    x_v, pbT_v, tb_v, lbl_v, pcT_v, tcT_v, cost_v, y_v, cbb_v, used_v,
    src_v, ext_v, stage_v, sem,
):
    w = lax.axis_index("s") * 2 + lax.axis_index("c")

    @pl.when(w < _B)
    def _work():
        b = w
        pltpu.sync_copy(x_hbm.at[b], x_v)
        pltpu.sync_copy(pbT_hbm.at[b], pbT_v)
        pltpu.sync_copy(tb_hbm.at[b], tb_v)
        pltpu.sync_copy(lbl_hbm.at[b], lbl_v)
        pltpu.sync_copy(pcT_hbm.at[b], pcT_v)
        pltpu.sync_copy(tcT_hbm.at[b], tcT_v)

        lane = lax.iota(jnp.int32, _L)
        lane0 = lane == 0
        zeros = jnp.zeros((_L,), jnp.float32)

        def _init(t, _):
            used_v[pl.ds(t * _L, _L)] = zeros
            return 0

        lax.fori_loop(0, _Q // _L, _init, 0)

        def _build_j(j, _):
            lblv = plsc.load_gather(lbl_v, [_splat_i(j)])
            tbv = [plsc.load_gather(tb_v, [_splat_i(j), _splat_i(dd)]) for dd in range(6)]

            def _build_q(t, _):
                qv = lane + t * _L
                y = plsc.load_gather(x_v, [qv, lblv])
                prob = 1.0 / (1.0 + jnp.exp(-y))
                cb = jnp.zeros((_L,), jnp.float32)
                for dd in range(6):
                    cb = cb + jnp.abs(pbT_v[dd, pl.ds(t * _L, _L)] - tbv[dd])
                cost_v[j, pl.ds(t * _L, _L)] = cb - prob
                y_v[j, pl.ds(t * _L, _L)] = y
                cbb_v[j, pl.ds(t * _L, _L)] = cb
                return 0

            lax.fori_loop(0, _Q // _L, _build_q, 0)
            return 0

        lax.fori_loop(0, _NT, _build_j, 0)

        def _ext_t(t, _):
            sl = pl.ds(t * _L, _L)
            for dd in range(3):
                lo = pcT_v[dd, sl]
                hi = pcT_v[dd, sl]
                for k in range(1, 8):
                    ck = pcT_v[3 * k + dd, sl]
                    lo = jnp.minimum(lo, ck)
                    hi = jnp.maximum(hi, ck)
                ext_v[dd, sl] = lo
                ext_v[3 + dd, sl] = hi
            return 0

        lax.fori_loop(0, _Q // _L, _ext_t, 0)

        def _match_j(j, _):
            chunks = []
            for t in range(_Q // _L):
                c = cost_v[j, pl.ds(t * _L, _L)]
                u = used_v[pl.ds(t * _L, _L)]
                chunks.append(jnp.where(u > 0.5, jnp.inf, c))
            best = chunks[0]
            for t in range(1, _Q // _L):
                best = jnp.minimum(best, chunks[t])
            m = jnp.min(best)
            cand = _splat_i(1024)
            for t in range(_Q // _L):
                cand = jnp.minimum(
                    cand, jnp.where(chunks[t] == m, lane + t * _L, 1024)
                )
            idxs = jnp.min(cand)
            plsc.store_scatter(
                used_v, [_splat_i(idxs)], jnp.full((_L,), 1.0, jnp.float32), mask=lane0
            )
            plsc.store_scatter(src_v, [_splat_i(j)], _splat_i(idxs), mask=lane0)
            return 0

        lax.fori_loop(0, _NT, _match_j, 0)

        xz = jnp.float32(0.0)
        bb = jnp.float32(0.0)
        gs = jnp.float32(0.0)
        for cchunk in range(_NT // _L):
            jv = lane + cchunk * _L
            srcv = src_v[pl.ds(cchunk * _L, _L)]
            xz = xz + jnp.sum(plsc.load_gather(y_v, [jv, srcv]))
            bb = bb + jnp.sum(plsc.load_gather(cbb_v, [jv, srcv]))
            inter = jnp.full((_L,), 1.0, jnp.float32)
            vol_s = jnp.full((_L,), 1.0, jnp.float32)
            vol_t = jnp.full((_L,), 1.0, jnp.float32)
            enc = jnp.full((_L,), 1.0, jnp.float32)
            for dd in range(3):
                smn = plsc.load_gather(ext_v, [_splat_i(dd), srcv])
                smx = plsc.load_gather(ext_v, [_splat_i(3 + dd), srcv])
                tmn = tcT_v[dd, pl.ds(cchunk * _L, _L)]
                tmx = tcT_v[dd, pl.ds(cchunk * _L, _L)]
                for k in range(1, 8):
                    ck = tcT_v[3 * k + dd, pl.ds(cchunk * _L, _L)]
                    tmn = jnp.minimum(tmn, ck)
                    tmx = jnp.maximum(tmx, ck)
                inter = inter * jnp.maximum(
                    jnp.minimum(smx, tmx) - jnp.maximum(smn, tmn), 0.0
                )
                vol_s = vol_s * (smx - smn)
                vol_t = vol_t * (tmx - tmn)
                enc = enc * (jnp.maximum(smx, tmx) - jnp.minimum(smn, tmn))
            union = vol_s + vol_t - inter
            g = inter / (union + 1e-7) - (enc - union) / (enc + 1e-7)
            gs = gs + jnp.sum(g)

        out = jnp.where(
            lane0,
            xz,
            jnp.where(lane == 1, bb, jnp.where(lane == 2, gs, 0.0)),
        )
        stage_v[...] = out
        pltpu.sync_copy(stage_v, out_hbm.at[b])


def _sc_partials(x, pbT, tb, lbl, pcT, tcT):
    mesh = plsc.VectorSubcoreMesh(core_axis_name="c", subcore_axis_name="s")
    k = functools.partial(
        pl.kernel,
        mesh=mesh,
        compiler_params=pltpu.CompilerParams(needs_layout_passes=False),
        out_type=jax.ShapeDtypeStruct((_B, _L), jnp.float32),
        scratch_types=[
            pltpu.VMEM((_Q, _C), jnp.float32),
            pltpu.VMEM((6, _Q), jnp.float32),
            pltpu.VMEM((_NT, 6), jnp.float32),
            pltpu.VMEM((_NT,), jnp.int32),
            pltpu.VMEM((24, _Q), jnp.float32),
            pltpu.VMEM((24, _NT), jnp.float32),
            pltpu.VMEM((_NT, _Q), jnp.float32),
            pltpu.VMEM((_NT, _Q), jnp.float32),
            pltpu.VMEM((_NT, _Q), jnp.float32),
            pltpu.VMEM((_Q,), jnp.float32),
            pltpu.VMEM((_NT,), jnp.int32),
            pltpu.VMEM((6, _Q), jnp.float32),
            pltpu.VMEM((_L,), jnp.float32),
            pltpu.SemaphoreType.DMA,
        ],
    )(_sc_body)
    return k(x, pbT, tb, lbl, pcT, tcT)


def _tc_body(xT_ref, part_ref, out_ref):
    x3 = xT_ref[...]
    ce_pos = jnp.sum(jnp.maximum(x3, 0.0) + jnp.log(1.0 + jnp.exp(-jnp.abs(x3))))
    parts = part_ref[...]
    xz = jnp.sum(parts[:, 0:1])
    bbox = jnp.sum(parts[:, 1:2])
    giou_s = jnp.sum(parts[:, 2:3])
    ce = (ce_pos - xz) / (_B * _Q * _C)
    bb = bbox / (_B * _NT * 6)
    gi = 1.0 - giou_s / (_B * _NT)
    out_ref[0] = ce * _WCE + bb * _WBB + gi * _WGI
    out_ref[1] = ce
    out_ref[2] = bb
    out_ref[3] = gi


def kernel(pred_logits, pred_boxes, pred_corners, tgt_labels, tgt_boxes, tgt_corners):
    pbT = jnp.transpose(pred_boxes, (0, 2, 1))
    pcT = jnp.transpose(pred_corners, (0, 2, 3, 1)).reshape(_B, 24, _Q)
    tcT = jnp.transpose(tgt_corners, (0, 2, 3, 1)).reshape(_B, 24, _NT)
    lbl = tgt_labels.astype(jnp.int32)
    parts = _sc_partials(pred_logits, pbT, tgt_boxes, lbl, pcT, tcT)
    xT = jnp.transpose(pred_logits, (0, 2, 1))
    out = pl.pallas_call(
        _tc_body,
        out_shape=jax.ShapeDtypeStruct((4,), jnp.float32),
        out_specs=pl.BlockSpec(memory_space=pltpu.SMEM),
    )(xT, parts)
    return (out[0], out[1], out[2], out[3])

# --- scband reference (transcript-rebuilt; emitter-appended) ---
"""Pipeline reference for scband-set-criterion3-d-69947837382908 (READ-ONLY COPY).

The authoritative reference and input builder live on the scoring server;
editing this copy changes nothing except your own understanding.
"""

import jax, jax.numpy as jnp
import numpy as np

NUM_CLASSES = 32
W_CE, W_BBOX, W_GIOU = 1.0, 5.0, 2.0


def setup_inputs(seed: int = 0):
    key = jax.random.key(seed)
    ks = jax.random.split(key, 6)
    B, Q, Nt, C = 8, 256, 32, NUM_CLASSES
    return {
        "pred_logits": jax.random.normal(ks[0], (B, Q, C), dtype=jnp.float32),
        "pred_boxes": jax.random.uniform(ks[1], (B, Q, 6), dtype=jnp.float32),
        "pred_corners": jax.random.normal(ks[2], (B, Q, 8, 3), dtype=jnp.float32),
        "tgt_labels": jax.random.randint(ks[3], (B, Nt), 0, C),
        "tgt_boxes": jax.random.uniform(ks[4], (B, Nt, 6), dtype=jnp.float32),
        "tgt_corners": jax.random.normal(ks[5], (B, Nt, 8, 3), dtype=jnp.float32),
    }


def _match(pred_logits, pred_boxes, tgt_labels, tgt_boxes):
    # Deterministic greedy bipartite matcher (stand-in for the injected Hungarian matcher).
    B, Q, _ = pred_logits.shape
    Nt = tgt_labels.shape[1]
    prob = 1.0 / (1.0 + jnp.exp(-pred_logits))
    cost_class = -jax.vmap(lambda p, t: jnp.take(p, t, axis=1))(prob, tgt_labels)
    cost_bbox = jnp.abs(pred_boxes[:, :, None, :] - tgt_boxes[:, None, :, :]).sum(-1)
    cost = cost_class + cost_bbox

    def per_batch(cost_b):
        def body(used, j):
            c = jnp.where(used, jnp.inf, cost_b[:, j])
            i = jnp.argmin(c)
            used = used.at[i].set(True)
            return used, i

        _, src = jax.lax.scan(body, jnp.zeros(Q, dtype=bool), jnp.arange(Nt))
        return src

    src_all = jax.vmap(per_batch)(cost)
    batch_idx = jnp.repeat(jnp.arange(B), Nt)
    src_idx = src_all.reshape(-1)
    return batch_idx, src_idx


def _giou3d(src_corners, tgt_corners):
    # axis-aligned 3D GIoU from 8x3 corner sets (diagonal pairs)
    smin = src_corners.min(axis=-2)
    smax = src_corners.max(axis=-2)
    tmin = tgt_corners.min(axis=-2)
    tmax = tgt_corners.max(axis=-2)
    inter = jnp.prod(jnp.maximum(jnp.minimum(smax, tmax) - jnp.maximum(smin, tmin), 0.0), axis=-1)
    vol_s = jnp.prod(smax - smin, axis=-1)
    vol_t = jnp.prod(tmax - tmin, axis=-1)
    union = vol_s + vol_t - inter
    enc = jnp.prod(jnp.maximum(smax, tmax) - jnp.minimum(smin, tmin), axis=-1)
    return inter / (union + 1e-7) - (enc - union) / (enc + 1e-7)


def reference(pred_logits, pred_boxes, pred_corners, tgt_labels, tgt_boxes, tgt_corners):
    B, Q, C = pred_logits.shape
    Nt = tgt_labels.shape[1]
    batch_idx, src_idx = _match(pred_logits, pred_boxes, tgt_labels, tgt_boxes)
    # loss_labels
    target_classes_o = tgt_labels.reshape(-1)
    onehot = jax.nn.one_hot(target_classes_o, C, dtype=jnp.float32)
    target_classes = jnp.zeros_like(pred_logits).at[batch_idx, src_idx].set(onehot)
    x = pred_logits
    z = target_classes
    loss_ce = jnp.mean(jnp.maximum(x, 0.0) - x * z + jnp.log1p(jnp.exp(-jnp.abs(x))))
    # loss_boxes
    src_boxes = pred_boxes[batch_idx, src_idx]
    tboxes = tgt_boxes.reshape(B * Nt, -1)
    loss_bbox = jnp.mean(jnp.abs(src_boxes - tboxes))
    src_c = pred_corners[batch_idx, src_idx]
    tgt_c = tgt_corners.reshape(B * Nt, 8, 3)
    gious = _giou3d(src_c, tgt_c)
    loss_giou = jnp.mean(1.0 - gious)
    final = loss_ce * W_CE + loss_bbox * W_BBOX + loss_giou * W_GIOU
    return (final, loss_ce, loss_bbox, loss_giou)

if __name__ == "__main__":
    import jax
    _d = setup_inputs()
    print(jax.jit(kernel)(*tuple(_d.values())))

</pallas_src>

<mosaic_0001>
#map = affine_map<(d0, d1) -> (0, 0, 0)>
#map1 = affine_map<(d0, d1) -> (0, 0)>
module attributes {stable_mosaic.version = 14 : i64} {
  func.func @_sc_body(%arg0: i32, %arg1: i32, %arg2: memref<8x256x32xf32, #tpu.memory_space<hbm>>, %arg3: memref<8x6x256xf32, #tpu.memory_space<hbm>>, %arg4: memref<8x32x6xf32, #tpu.memory_space<hbm>>, %arg5: memref<8x32xi32, #tpu.memory_space<hbm>>, %arg6: memref<8x24x256xf32, #tpu.memory_space<hbm>>, %arg7: memref<8x24x32xf32, #tpu.memory_space<hbm>>, %arg8: memref<8x16xf32, #tpu.memory_space<hbm>>, %arg9: memref<256x32xf32, #tpu.memory_space<vmem>>, %arg10: memref<6x256xf32, #tpu.memory_space<vmem>>, %arg11: memref<32x6xf32, #tpu.memory_space<vmem>>, %arg12: memref<32xi32, #tpu.memory_space<vmem>>, %arg13: memref<24x256xf32, #tpu.memory_space<vmem>>, %arg14: memref<24x32xf32, #tpu.memory_space<vmem>>, %arg15: memref<32x256xf32, #tpu.memory_space<vmem>>, %arg16: memref<32x256xf32, #tpu.memory_space<vmem>>, %arg17: memref<32x256xf32, #tpu.memory_space<vmem>>, %arg18: memref<256xf32, #tpu.memory_space<vmem>>, %arg19: memref<32xi32, #tpu.memory_space<vmem>>, %arg20: memref<6x256xf32, #tpu.memory_space<vmem>>, %arg21: memref<16xf32, #tpu.memory_space<vmem>>, %arg22: memref<!tpu.dma_semaphore, #tpu.memory_space<semaphore_mem>>) attributes {dimension_semantics = [#tpu.dimension_semantics<core_parallel>, #tpu.dimension_semantics<subcore_parallel>], iteration_bounds = array<i64: 2, 16>, scalar_prefetch = 0 : i64, scratch_operands = 14 : i64, tpu.core_type = #tpu.core_type<sc_vector_subcore>, window_params = [{transform_indices = #map}, {transform_indices = #map}, {transform_indices = #map}, {transform_indices = #map1}, {transform_indices = #map}, {transform_indices = #map}, {transform_indices = #map1}]} {
    %mul3A = arith.constant 2 : i32
    %mul3A_0 = arith.muli %arg1, %mul3A : i32
    %add3A = arith.addi %mul3A_0, %arg0 : i32
    %lt3A = arith.constant 8 : i32
    %lt3A_1 = arith.cmpi slt, %add3A, %lt3A : i32
    %convert_element_type3A = arith.extui %lt3A_1 : i1 to i32
    %cond3A = arith.constant 0 : i32
    %cond3A_2 = arith.cmpi ne, %convert_element_type3A, %cond3A : i32
    scf.if %cond3A_2 {
      "tpu.region"() ({
        %run_scoped3A = tpu.sem_alloc : memref<!tpu.dma_semaphore, #tpu.memory_space<semaphore_mem>>
        %dma_start3A = arith.constant 0 : i32
        %dma_start3A_552 = arith.constant 0 : i32
        %dma_start3A_553 = tpu.memref_slice %arg2[%add3A, %dma_start3A, %dma_start3A_552] : memref<8x256x32xf32, #tpu.memory_space<hbm>> -> memref<1x256x32xf32, #tpu.memory_space<hbm>>
        %dma_start3A_554 = tpu.memref_squeeze %dma_start3A_553 : memref<1x256x32xf32, #tpu.memory_space<hbm>> -> memref<256x32xf32, #tpu.memory_space<hbm>>
        %dma_start3A_555 = arith.constant 0 : i32
        %dma_start3A_556 = arith.constant 0 : i32
        %dma_start3A_557 = tpu.memref_slice %arg2[%add3A, %dma_start3A_555, %dma_start3A_556] : memref<8x256x32xf32, #tpu.memory_space<hbm>> -> memref<1x256x32xf32, #tpu.memory_space<hbm>>
        %dma_start3A_558 = tpu.memref_squeeze %dma_start3A_557 : memref<1x256x32xf32, #tpu.memory_space<hbm>> -> memref<256x32xf32, #tpu.memory_space<hbm>>
        tpu.enqueue_dma source(%dma_start3A_558 : memref<256x32xf32, #tpu.memory_space<hbm>>) target(%arg9 : memref<256x32xf32, #tpu.memory_space<vmem>>) target_semaphore(%run_scoped3A : memref<!tpu.dma_semaphore, #tpu.memory_space<semaphore_mem>>)
        %dma_wait3A = arith.constant 0 : i32
        %dma_wait3A_559 = arith.constant 0 : i32
        %dma_wait3A_560 = tpu.memref_slice %arg2[%add3A, %dma_wait3A, %dma_wait3A_559] : memref<8x256x32xf32, #tpu.memory_space<hbm>> -> memref<1x256x32xf32, #tpu.memory_space<hbm>>
        %dma_wait3A_561 = tpu.memref_squeeze %dma_wait3A_560 : memref<1x256x32xf32, #tpu.memory_space<hbm>> -> memref<256x32xf32, #tpu.memory_space<hbm>>
        %dma_wait3A_562 = arith.constant 0 : i32
        %dma_wait3A_563 = arith.constant 0 : i32
        %dma_wait3A_564 = tpu.memref_slice %arg2[%add3A, %dma_wait3A_562, %dma_wait3A_563] : memref<8x256x32xf32, #tpu.memory_space<hbm>> -> memref<1x256x32xf32, #tpu.memory_space<hbm>>
        %dma_wait3A_565 = tpu.memref_squeeze %dma_wait3A_564 : memref<1x256x32xf32, #tpu.memory_space<hbm>> -> memref<256x32xf32, #tpu.memory_space<hbm>>
        tpu.wait_dma2 semaphore(%run_scoped3A : memref<!tpu.dma_semaphore, #tpu.memory_space<semaphore_mem>>) src(%dma_wait3A_565 : memref<256x32xf32, #tpu.memory_space<hbm>>) dst(%arg9 : memref<256x32xf32, #tpu.memory_space<vmem>>)
        tpu.yield
      }) : () -> ()
      "tpu.region"() ({
        %run_scoped3A = tpu.sem_alloc : memref<!tpu.dma_semaphore, #tpu.memory_space<semaphore_mem>>
        %dma_start3A = arith.constant 0 : i32
        %dma_start3A_552 = arith.constant 0 : i32
        %dma_start3A_553 = tpu.memref_slice %arg3[%add3A, %dma_start3A, %dma_start3A_552] : memref<8x6x256xf32, #tpu.memory_space<hbm>> -> memref<1x6x256xf32, #tpu.memory_space<hbm>>
        %dma_start3A_554 = tpu.memref_squeeze %dma_start3A_553 : memref<1x6x256xf32, #tpu.memory_space<hbm>> -> memref<6x256xf32, #tpu.memory_space<hbm>>
        %dma_start3A_555 = arith.constant 0 : i32
        %dma_start3A_556 = arith.constant 0 : i32
        %dma_start3A_557 = tpu.memref_slice %arg3[%add3A, %dma_start3A_555, %dma_start3A_556] : memref<8x6x256xf32, #tpu.memory_space<hbm>> -> memref<1x6x256xf32, #tpu.memory_space<hbm>>
        %dma_start3A_558 = tpu.memref_squeeze %dma_start3A_557 : memref<1x6x256xf32, #tpu.memory_space<hbm>> -> memref<6x256xf32, #tpu.memory_space<hbm>>
        tpu.enqueue_dma source(%dma_start3A_558 : memref<6x256xf32, #tpu.memory_space<hbm>>) target(%arg10 : memref<6x256xf32, #tpu.memory_space<vmem>>) target_semaphore(%run_scoped3A : memref<!tpu.dma_semaphore, #tpu.memory_space<semaphore_mem>>)
        %dma_wait3A = arith.constant 0 : i32
        %dma_wait3A_559 = arith.constant 0 : i32
        %dma_wait3A_560 = tpu.memref_slice %arg3[%add3A, %dma_wait3A, %dma_wait3A_559] : memref<8x6x256xf32, #tpu.memory_space<hbm>> -> memref<1x6x256xf32, #tpu.memory_space<hbm>>
        %dma_wait3A_561 = tpu.memref_squeeze %dma_wait3A_560 : memref<1x6x256xf32, #tpu.memory_space<hbm>> -> memref<6x256xf32, #tpu.memory_space<hbm>>
        %dma_wait3A_562 = arith.constant 0 : i32
        %dma_wait3A_563 = arith.constant 0 : i32
        %dma_wait3A_564 = tpu.memref_slice %arg3[%add3A, %dma_wait3A_562, %dma_wait3A_563] : memref<8x6x256xf32, #tpu.memory_space<hbm>> -> memref<1x6x256xf32, #tpu.memory_space<hbm>>
        %dma_wait3A_565 = tpu.memref_squeeze %dma_wait3A_564 : memref<1x6x256xf32, #tpu.memory_space<hbm>> -> memref<6x256xf32, #tpu.memory_space<hbm>>
        tpu.wait_dma2 semaphore(%run_scoped3A : memref<!tpu.dma_semaphore, #tpu.memory_space<semaphore_mem>>) src(%dma_wait3A_565 : memref<6x256xf32, #tpu.memory_space<hbm>>) dst(%arg10 : memref<6x256xf32, #tpu.memory_space<vmem>>)
        tpu.yield
      }) : () -> ()
      "tpu.region"() ({
        %run_scoped3A = tpu.sem_alloc : memref<!tpu.dma_semaphore, #tpu.memory_space<semaphore_mem>>
        %dma_start3A = arith.constant 0 : i32
        %dma_start3A_552 = arith.constant 0 : i32
        %dma_start3A_553 = tpu.memref_slice %arg4[%add3A, %dma_start3A, %dma_start3A_552] : memref<8x32x6xf32, #tpu.memory_space<hbm>> -> memref<1x32x6xf32, #tpu.memory_space<hbm>>
        %dma_start3A_554 = tpu.memref_squeeze %dma_start3A_553 : memref<1x32x6xf32, #tpu.memory_space<hbm>> -> memref<32x6xf32, #tpu.memory_space<hbm>>
        %dma_start3A_555 = arith.constant 0 : i32
        %dma_start3A_556 = arith.constant 0 : i32
        %dma_start3A_557 = tpu.memref_slice %arg4[%add3A, %dma_start3A_555, %dma_start3A_556] : memref<8x32x6xf32, #tpu.memory_space<hbm>> -> memref<1x32x6xf32, #tpu.memory_space<hbm>>
        %dma_start3A_558 = tpu.memref_squeeze %dma_start3A_557 : memref<1x32x6xf32, #tpu.memory_space<hbm>> -> memref<32x6xf32, #tpu.memory_space<hbm>>
        tpu.enqueue_dma source(%dma_start3A_558 : memref<32x6xf32, #tpu.memory_space<hbm>>) target(%arg11 : memref<32x6xf32, #tpu.memory_space<vmem>>) target_semaphore(%run_scoped3A : memref<!tpu.dma_semaphore, #tpu.memory_space<semaphore_mem>>)
        %dma_wait3A = arith.constant 0 : i32
        %dma_wait3A_559 = arith.constant 0 : i32
        %dma_wait3A_560 = tpu.memref_slice %arg4[%add3A, %dma_wait3A, %dma_wait3A_559] : memref<8x32x6xf32, #tpu.memory_space<hbm>> -> memref<1x32x6xf32, #tpu.memory_space<hbm>>
        %dma_wait3A_561 = tpu.memref_squeeze %dma_wait3A_560 : memref<1x32x6xf32, #tpu.memory_space<hbm>> -> memref<32x6xf32, #tpu.memory_space<hbm>>
        %dma_wait3A_562 = arith.constant 0 : i32
        %dma_wait3A_563 = arith.constant 0 : i32
        %dma_wait3A_564 = tpu.memref_slice %arg4[%add3A, %dma_wait3A_562, %dma_wait3A_563] : memref<8x32x6xf32, #tpu.memory_space<hbm>> -> memref<1x32x6xf32, #tpu.memory_space<hbm>>
        %dma_wait3A_565 = tpu.memref_squeeze %dma_wait3A_564 : memref<1x32x6xf32, #tpu.memory_space<hbm>> -> memref<32x6xf32, #tpu.memory_space<hbm>>
        tpu.wait_dma2 semaphore(%run_scoped3A : memref<!tpu.dma_semaphore, #tpu.memory_space<semaphore_mem>>) src(%dma_wait3A_565 : memref<32x6xf32, #tpu.memory_space<hbm>>) dst(%arg11 : memref<32x6xf32, #tpu.memory_space<vmem>>)
        tpu.yield
      }) : () -> ()
      "tpu.region"() ({
        %run_scoped3A = tpu.sem_alloc : memref<!tpu.dma_semaphore, #tpu.memory_space<semaphore_mem>>
        %dma_start3A = arith.constant 0 : i32
        %dma_start3A_552 = tpu.memref_slice %arg5[%add3A, %dma_start3A] : memref<8x32xi32, #tpu.memory_space<hbm>> -> memref<1x32xi32, #tpu.memory_space<hbm>>
        %dma_start3A_553 = tpu.memref_squeeze %dma_start3A_552 : memref<1x32xi32, #tpu.memory_space<hbm>> -> memref<32xi32, #tpu.memory_space<hbm>>
        %dma_start3A_554 = arith.constant 0 : i32
        %dma_start3A_555 = tpu.memref_slice %arg5[%add3A, %dma_start3A_554] : memref<8x32xi32, #tpu.memory_space<hbm>> -> memref<1x32xi32, #tpu.memory_space<hbm>>
        %dma_start3A_556 = tpu.memref_squeeze %dma_start3A_555 : memref<1x32xi32, #tpu.memory_space<hbm>> -> memref<32xi32, #tpu.memory_space<hbm>>
        tpu.enqueue_dma source(%dma_start3A_556 : memref<32xi32, #tpu.memory_space<hbm>>) target(%arg12 : memref<32xi32, #tpu.memory_space<vmem>>) target_semaphore(%run_scoped3A : memref<!tpu.dma_semaphore, #tpu.memory_space<semaphore_mem>>)
        %dma_wait3A = arith.constant 0 : i32
        %dma_wait3A_557 = tpu.memref_slice %arg5[%add3A, %dma_wait3A] : memref<8x32xi32, #tpu.memory_space<hbm>> -> memref<1x32xi32, #tpu.memory_space<hbm>>
        %dma_wait3A_558 = tpu.memref_squeeze %dma_wait3A_557 : memref<1x32xi32, #tpu.memory_space<hbm>> -> memref<32xi32, #tpu.memory_space<hbm>>
        %dma_wait3A_559 = arith.constant 0 : i32
        %dma_wait3A_560 = tpu.memref_slice %arg5[%add3A, %dma_wait3A_559] : memref<8x32xi32, #tpu.memory_space<hbm>> -> memref<1x32xi32, #tpu.memory_space<hbm>>
        %dma_wait3A_561 = tpu.memref_squeeze %dma_wait3A_560 : memref<1x32xi32, #tpu.memory_space<hbm>> -> memref<32xi32, #tpu.memory_space<hbm>>
        tpu.wait_dma2 semaphore(%run_scoped3A : memref<!tpu.dma_semaphore, #tpu.memory_space<semaphore_mem>>) src(%dma_wait3A_561 : memref<32xi32, #tpu.memory_space<hbm>>) dst(%arg12 : memref<32xi32, #tpu.memory_space<vmem>>)
        tpu.yield
      }) : () -> ()
      "tpu.region"() ({
        %run_scoped3A = tpu.sem_alloc : memref<!tpu.dma_semaphore, #tpu.memory_space<semaphore_mem>>
        %dma_start3A = arith.constant 0 : i32
        %dma_start3A_552 = arith.constant 0 : i32
        %dma_start3A_553 = tpu.memref_slice %arg6[%add3A, %dma_start3A, %dma_start3A_552] : memref<8x24x256xf32, #tpu.memory_space<hbm>> -> memref<1x24x256xf32, #tpu.memory_space<hbm>>
        %dma_start3A_554 = tpu.memref_squeeze %dma_start3A_553 : memref<1x24x256xf32, #tpu.memory_space<hbm>> -> memref<24x256xf32, #tpu.memory_space<hbm>>
        %dma_start3A_555 = arith.constant 0 : i32
        %dma_start3A_556 = arith.constant 0 : i32
        %dma_start3A_557 = tpu.memref_slice %arg6[%add3A, %dma_start3A_555, %dma_start3A_556] : memref<8x24x256xf32, #tpu.memory_space<hbm>> -> memref<1x24x256xf32, #tpu.memory_space<hbm>>
        %dma_start3A_558 = tpu.memref_squeeze %dma_start3A_557 : memref<1x24x256xf32, #tpu.memory_space<hbm>> -> memref<24x256xf32, #tpu.memory_space<hbm>>
        tpu.enqueue_dma source(%dma_start3A_558 : memref<24x256xf32, #tpu.memory_space<hbm>>) target(%arg13 : memref<24x256xf32, #tpu.memory_space<vmem>>) target_semaphore(%run_scoped3A : memref<!tpu.dma_semaphore, #tpu.memory_space<semaphore_mem>>)
        %dma_wait3A = arith.constant 0 : i32
        %dma_wait3A_559 = arith.constant 0 : i32
        %dma_wait3A_560 = tpu.memref_slice %arg6[%add3A, %dma_wait3A, %dma_wait3A_559] : memref<8x24x256xf32, #tpu.memory_space<hbm>> -> memref<1x24x256xf32, #tpu.memory_space<hbm>>
        %dma_wait3A_561 = tpu.memref_squeeze %dma_wait3A_560 : memref<1x24x256xf32, #tpu.memory_space<hbm>> -> memref<24x256xf32, #tpu.memory_space<hbm>>
        %dma_wait3A_562 = arith.constant 0 : i32
        %dma_wait3A_563 = arith.constant 0 : i32
        %dma_wait3A_564 = tpu.memref_slice %arg6[%add3A, %dma_wait3A_562, %dma_wait3A_563] : memref<8x24x256xf32, #tpu.memory_space<hbm>> -> memref<1x24x256xf32, #tpu.memory_space<hbm>>
        %dma_wait3A_565 = tpu.memref_squeeze %dma_wait3A_564 : memref<1x24x256xf32, #tpu.memory_space<hbm>> -> memref<24x256xf32, #tpu.memory_space<hbm>>
        tpu.wait_dma2 semaphore(%run_scoped3A : memref<!tpu.dma_semaphore, #tpu.memory_space<semaphore_mem>>) src(%dma_wait3A_565 : memref<24x256xf32, #tpu.memory_space<hbm>>) dst(%arg13 : memref<24x256xf32, #tpu.memory_space<vmem>>)
        tpu.yield
      }) : () -> ()
      "tpu.region"() ({
        %run_scoped3A = tpu.sem_alloc : memref<!tpu.dma_semaphore, #tpu.memory_space<semaphore_mem>>
        %dma_start3A = arith.constant 0 : i32
        %dma_start3A_552 = arith.constant 0 : i32
        %dma_start3A_553 = tpu.memref_slice %arg7[%add3A, %dma_start3A, %dma_start3A_552] : memref<8x24x32xf32, #tpu.memory_space<hbm>> -> memref<1x24x32xf32, #tpu.memory_space<hbm>>
        %dma_start3A_554 = tpu.memref_squeeze %dma_start3A_553 : memref<1x24x32xf32, #tpu.memory_space<hbm>> -> memref<24x32xf32, #tpu.memory_space<hbm>>
        %dma_start3A_555 = arith.constant 0 : i32
        %dma_start3A_556 = arith.constant 0 : i32
        %dma_start3A_557 = tpu.memref_slice %arg7[%add3A, %dma_start3A_555, %dma_start3A_556] : memref<8x24x32xf32, #tpu.memory_space<hbm>> -> memref<1x24x32xf32, #tpu.memory_space<hbm>>
        %dma_start3A_558 = tpu.memref_squeeze %dma_start3A_557 : memref<1x24x32xf32, #tpu.memory_space<hbm>> -> memref<24x32xf32, #tpu.memory_space<hbm>>
        tpu.enqueue_dma source(%dma_start3A_558 : memref<24x32xf32, #tpu.memory_space<hbm>>) target(%arg14 : memref<24x32xf32, #tpu.memory_space<vmem>>) target_semaphore(%run_scoped3A : memref<!tpu.dma_semaphore, #tpu.memory_space<semaphore_mem>>)
        %dma_wait3A = arith.constant 0 : i32
        %dma_wait3A_559 = arith.constant 0 : i32
        %dma_wait3A_560 = tpu.memref_slice %arg7[%add3A, %dma_wait3A, %dma_wait3A_559] : memref<8x24x32xf32, #tpu.memory_space<hbm>> -> memref<1x24x32xf32, #tpu.memory_space<hbm>>
        %dma_wait3A_561 = tpu.memref_squeeze %dma_wait3A_560 : memref<1x24x32xf32, #tpu.memory_space<hbm>> -> memref<24x32xf32, #tpu.memory_space<hbm>>
        %dma_wait3A_562 = arith.constant 0 : i32
        %dma_wait3A_563 = arith.constant 0 : i32
        %dma_wait3A_564 = tpu.memref_slice %arg7[%add3A, %dma_wait3A_562, %dma_wait3A_563] : memref<8x24x32xf32, #tpu.memory_space<hbm>> -> memref<1x24x32xf32, #tpu.memory_space<hbm>>
        %dma_wait3A_565 = tpu.memref_squeeze %dma_wait3A_564 : memref<1x24x32xf32, #tpu.memory_space<hbm>> -> memref<24x32xf32, #tpu.memory_space<hbm>>
        tpu.wait_dma2 semaphore(%run_scoped3A : memref<!tpu.dma_semaphore, #tpu.memory_space<semaphore_mem>>) src(%dma_wait3A_565 : memref<24x32xf32, #tpu.memory_space<hbm>>) dst(%arg14 : memref<24x32xf32, #tpu.memory_space<vmem>>)
        tpu.yield
      }) : () -> ()
      %iota3A = tpu.iota {dimensions = array<i32: 0>} : vector<16xi32>
      %eq3A = arith.constant 0 : i32
      %eq3A_3 = vector.broadcast %eq3A : i32 to vector<16xi32>
      %eq3A_4 = arith.cmpi eq, %iota3A, %eq3A_3 : vector<16xi32>
      %broadcast_in_dim3A = arith.constant 0.000000e+00 : f32
      %broadcast_in_dim3A_5 = vector.broadcast %broadcast_in_dim3A : f32 to vector<16xf32>
      %scan3A = arith.constant 0 : i32
      %scan3A_6 = arith.constant 0 : i32
      %scan3A_7 = arith.constant 16 : i32
      %scan3A_8 = arith.addi %scan3A_6, %scan3A_7 : i32
      %scan3A_9 = arith.constant 1 : i32
      %scan3A_10 = scf.for %scan3A_552 = %scan3A_6 to %scan3A_8 step %scan3A_9 iter_args(%scan3A_553 = %scan3A) -> (i32)  : i32 {
        %mul3A_554 = arith.constant 16 : i32
        %mul3A_555 = arith.muli %scan3A_552, %mul3A_554 : i32
        %swap3A_556 = arith.index_cast %mul3A_555 : i32 to index
        %swap3A_557 = tpu.vector_load %arg18[%swap3A_556] {strides = array<i32>} : memref<256xf32, #tpu.memory_space<vmem>>, vector<16xf32>,
        tpu.vector_store %arg18[%swap3A_556], %broadcast_in_dim3A_5 {strides = array<i32>} : memref<256xf32, #tpu.memory_space<vmem>>, vector<16xf32>,
        %scan3A_558 = arith.constant 0 : i32
        scf.yield %scan3A_558 : i32
      }
      %scan3A_11 = arith.constant 16 : i32
      %scan3A_12 = arith.constant 0 : i32
      %scan3A_13 = arith.constant 0 : i32
      %scan3A_14 = arith.constant 32 : i32
      %scan3A_15 = arith.addi %scan3A_13, %scan3A_14 : i32
      %scan3A_16 = arith.constant 1 : i32
      %scan3A_17 = scf.for %scan3A_552 = %scan3A_13 to %scan3A_15 step %scan3A_16 iter_args(%scan3A_553 = %scan3A_12) -> (i32)  : i32 {
        %broadcast_in_dim3A_554 = vector.broadcast %scan3A_552 : i32 to vector<16xi32>
        %gather3A_555 = tpu.vector_load_idx %arg12[%broadcast_in_dim3A_554] : memref<32xi32, #tpu.memory_space<vmem>>[vector<16xi32>], vector<16xi32>,
        %broadcast_in_dim3A_556 = vector.broadcast %scan3A_552 : i32 to vector<16xi32>
        %broadcast_in_dim3A_557 = arith.constant 0 : i32
        %broadcast_in_dim3A_558 = vector.broadcast %broadcast_in_dim3A_557 : i32 to vector<16xi32>
        %gather3A_559 = tpu.vector_load_idx %arg11[%broadcast_in_dim3A_556, %broadcast_in_dim3A_558] : memref<32x6xf32, #tpu.memory_space<vmem>>[vector<16xi32>, vector<16xi32>], vector<16xf32>,
        %broadcast_in_dim3A_560 = vector.broadcast %scan3A_552 : i32 to vector<16xi32>
        %broadcast_in_dim3A_561 = arith.constant 1 : i32
        %broadcast_in_dim3A_562 = vector.broadcast %broadcast_in_dim3A_561 : i32 to vector<16xi32>
        %gather3A_563 = tpu.vector_load_idx %arg11[%broadcast_in_dim3A_560, %broadcast_in_dim3A_562] : memref<32x6xf32, #tpu.memory_space<vmem>>[vector<16xi32>, vector<16xi32>], vector<16xf32>,
        %broadcast_in_dim3A_564 = vector.broadcast %scan3A_552 : i32 to vector<16xi32>
        %broadcast_in_dim3A_565 = arith.constant 2 : i32
        %broadcast_in_dim3A_566 = vector.broadcast %broadcast_in_dim3A_565 : i32 to vector<16xi32>
        %gather3A_567 = tpu.vector_load_idx %arg11[%broadcast_in_dim3A_564, %broadcast_in_dim3A_566] : memref<32x6xf32, #tpu.memory_space<vmem>>[vector<16xi32>, vector<16xi32>], vector<16xf32>,
        %broadcast_in_dim3A_568 = vector.broadcast %scan3A_552 : i32 to vector<16xi32>
        %broadcast_in_dim3A_569 = arith.constant 3 : i32
        %broadcast_in_dim3A_570 = vector.broadcast %broadcast_in_dim3A_569 : i32 to vector<16xi32>
        %gather3A_571 = tpu.vector_load_idx %arg11[%broadcast_in_dim3A_568, %broadcast_in_dim3A_570] : memref<32x6xf32, #tpu.memory_space<vmem>>[vector<16xi32>, vector<16xi32>], vector<16xf32>,
        %broadcast_in_dim3A_572 = vector.broadcast %scan3A_552 : i32 to vector<16xi32>
        %broadcast_in_dim3A_573 = arith.constant 4 : i32
        %broadcast_in_dim3A_574 = vector.broadcast %broadcast_in_dim3A_573 : i32 to vector<16xi32>
        %gather3A_575 = tpu.vector_load_idx %arg11[%broadcast_in_dim3A_572, %broadcast_in_dim3A_574] : memref<32x6xf32, #tpu.memory_space<vmem>>[vector<16xi32>, vector<16xi32>], vector<16xf32>,
        %broadcast_in_dim3A_576 = vector.broadcast %scan3A_552 : i32 to vector<16xi32>
        %broadcast_in_dim3A_577 = arith.constant 5 : i32
        %broadcast_in_dim3A_578 = vector.broadcast %broadcast_in_dim3A_577 : i32 to vector<16xi32>
        %gather3A_579 = tpu.vector_load_idx %arg11[%broadcast_in_dim3A_576, %broadcast_in_dim3A_578] : memref<32x6xf32, #tpu.memory_space<vmem>>[vector<16xi32>, vector<16xi32>], vector<16xf32>,
        %scan3A_580 = arith.constant 0 : i32
        %scan3A_581 = arith.constant 0 : i32
        %scan3A_582 = arith.constant 16 : i32
        %scan3A_583 = arith.addi %scan3A_581, %scan3A_582 : i32
        %scan3A_584 = arith.constant 1 : i32
        %scan3A_585 = scf.for %scan3A_588 = %scan3A_581 to %scan3A_583 step %scan3A_584 iter_args(%scan3A_589 = %scan3A_580) -> (i32)  : i32 {
          %mul3A_590 = arith.constant 16 : i32
          %mul3A_591 = arith.muli %scan3A_588, %mul3A_590 : i32
          %add3A_592 = vector.broadcast %mul3A_591 : i32 to vector<16xi32>
          %add3A_593 = arith.addi %iota3A, %add3A_592 : vector<16xi32>
          %gather3A_594 = tpu.vector_load_idx %arg9[%add3A_593, %gather3A_555] : memref<256x32xf32, #tpu.memory_space<vmem>>[vector<16xi32>, vector<16xi32>], vector<16xf32>,
          %neg3A = arith.constant 0.000000e+00 : f32
          %neg3A_595 = vector.broadcast %neg3A : f32 to vector<16xf32>
          %neg3A_596 = arith.subf %neg3A_595, %gather3A_594 : vector<16xf32>
          %exp3A = math.exp %neg3A_596 : vector<16xf32>
          %add3A_597 = arith.constant 1.000000e+00 : f32
          %add3A_598 = vector.broadcast %add3A_597 : f32 to vector<16xf32>
          %add3A_599 = arith.addf %add3A_598, %exp3A : vector<16xf32>
          %div3A_600 = arith.constant 1.000000e+00 : f32
          %div3A_601 = vector.broadcast %div3A_600 : f32 to vector<16xf32>
          %div3A_602 = arith.divf %div3A_601, %add3A_599 : vector<16xf32>
          %broadcast_in_dim3A_603 = arith.constant 0.000000e+00 : f32
          %broadcast_in_dim3A_604 = vector.broadcast %broadcast_in_dim3A_603 : f32 to vector<16xf32>
          %mul3A_605 = arith.constant 16 : i32
          %mul3A_606 = arith.muli %scan3A_588, %mul3A_605 : i32
          %get3A_607 = arith.constant 0 : i32
          %get3A_608 = arith.index_cast %get3A_607 : i32 to index
          %get3A_609 = arith.index_cast %mul3A_606 : i32 to index
          %get3A_610 = tpu.vector_load %arg10[%get3A_608, %get3A_609] {strides = array<i32>} : memref<6x256xf32, #tpu.memory_space<vmem>>, vector<16xf32>,
          %sub3A_611 = arith.subf %get3A_610, %gather3A_559 : vector<16xf32>
          %abs3A = math.absf %sub3A_611 : vector<16xf32>
          %add3A_612 = arith.addf %broadcast_in_dim3A_604, %abs3A : vector<16xf32>
          %mul3A_613 = arith.constant 16 : i32
          %mul3A_614 = arith.muli %scan3A_588, %mul3A_613 : i32
          %get3A_615 = arith.constant 1 : i32
          %get3A_616 = arith.index_cast %get3A_615 : i32 to index
          %get3A_617 = arith.index_cast %mul3A_614 : i32 to index
          %get3A_618 = tpu.vector_load %arg10[%get3A_616, %get3A_617] {strides = array<i32>} : memref<6x256xf32, #tpu.memory_space<vmem>>, vector<16xf32>,
          %sub3A_619 = arith.subf %get3A_618, %gather3A_563 : vector<16xf32>
          %abs3A_620 = math.absf %sub3A_619 : vector<16xf32>
          %add3A_621 = arith.addf %add3A_612, %abs3A_620 : vector<16xf32>
          %mul3A_622 = arith.constant 16 : i32
          %mul3A_623 = arith.muli %scan3A_588, %mul3A_622 : i32
          %get3A_624 = arith.constant 2 : i32
          %get3A_625 = arith.index_cast %get3A_624 : i32 to index
          %get3A_626 = arith.index_cast %mul3A_623 : i32 to index
          %get3A_627 = tpu.vector_load %arg10[%get3A_625, %get3A_626] {strides = array<i32>} : memref<6x256xf32, #tpu.memory_space<vmem>>, vector<16xf32>,
          %sub3A_628 = arith.subf %get3A_627, %gather3A_567 : vector<16xf32>
          %abs3A_629 = math.absf %sub3A_628 : vector<16xf32>
          %add3A_630 = arith.addf %add3A_621, %abs3A_629 : vector<16xf32>
          %mul3A_631 = arith.constant 16 : i32
          %mul3A_632 = arith.muli %scan3A_588, %mul3A_631 : i32
          %get3A_633 = arith.constant 3 : i32
          %get3A_634 = arith.index_cast %get3A_633 : i32 to index
          %get3A_635 = arith.index_cast %mul3A_632 : i32 to index
          %get3A_636 = tpu.vector_load %arg10[%get3A_634, %get3A_635] {strides = array<i32>} : memref<6x256xf32, #tpu.memory_space<vmem>>, vector<16xf32>,
          %sub3A_637 = arith.subf %get3A_636, %gather3A_571 : vector<16xf32>
          %abs3A_638 = math.absf %sub3A_637 : vector<16xf32>
          %add3A_639 = arith.addf %add3A_630, %abs3A_638 : vector<16xf32>
          %mul3A_640 = arith.constant 16 : i32
          %mul3A_641 = arith.muli %scan3A_588, %mul3A_640 : i32
          %get3A_642 = arith.constant 4 : i32
          %get3A_643 = arith.index_cast %get3A_642 : i32 to index
          %get3A_644 = arith.index_cast %mul3A_641 : i32 to index
          %get3A_645 = tpu.vector_load %arg10[%get3A_643, %get3A_644] {strides = array<i32>} : memref<6x256xf32, #tpu.memory_space<vmem>>, vector<16xf32>,
          %sub3A_646 = arith.subf %get3A_645, %gather3A_575 : vector<16xf32>
          %abs3A_647 = math.absf %sub3A_646 : vector<16xf32>
          %add3A_648 = arith.addf %add3A_639, %abs3A_647 : vector<16xf32>
          %mul3A_649 = arith.constant 16 : i32
          %mul3A_650 = arith.muli %scan3A_588, %mul3A_649 : i32
          %get3A_651 = arith.constant 5 : i32
          %get3A_652 = arith.index_cast %get3A_651 : i32 to index
          %get3A_653 = arith.index_cast %mul3A_650 : i32 to index
          %get3A_654 = tpu.vector_load %arg10[%get3A_652, %get3A_653] {strides = array<i32>} : memref<6x256xf32, #tpu.memory_space<vmem>>, vector<16xf32>,
          %sub3A_655 = arith.subf %get3A_654, %gather3A_579 : vector<16xf32>
          %abs3A_656 = math.absf %sub3A_655 : vector<16xf32>
          %add3A_657 = arith.addf %add3A_648, %abs3A_656 : vector<16xf32>
          %sub3A_658 = arith.subf %add3A_657, %div3A_602 : vector<16xf32>
          %mul3A_659 = arith.constant 16 : i32
          %mul3A_660 = arith.muli %scan3A_588, %mul3A_659 : i32
          %swap3A_661 = arith.index_cast %scan3A_552 : i32 to index
          %swap3A_662 = arith.index_cast %mul3A_660 : i32 to index
          %swap3A_663 = tpu.vector_load %arg15[%swap3A_661, %swap3A_662] {strides = array<i32>} : memref<32x256xf32, #tpu.memory_space<vmem>>, vector<16xf32>,
          tpu.vector_store %arg15[%swap3A_661, %swap3A_662], %sub3A_658 {strides = array<i32>} : memref<32x256xf32, #tpu.memory_space<vmem>>, vector<16xf32>,
          %mul3A_664 = arith.constant 16 : i32
          %mul3A_665 = arith.muli %scan3A_588, %mul3A_664 : i32
          %swap3A_666 = arith.index_cast %scan3A_552 : i32 to index
          %swap3A_667 = arith.index_cast %mul3A_665 : i32 to index
          %swap3A_668 = tpu.vector_load %arg16[%swap3A_666, %swap3A_667] {strides = array<i32>} : memref<32x256xf32, #tpu.memory_space<vmem>>, vector<16xf32>,
          tpu.vector_store %arg16[%swap3A_666, %swap3A_667], %gather3A_594 {strides = array<i32>} : memref<32x256xf32, #tpu.memory_space<vmem>>, vector<16xf32>,
          %mul3A_669 = arith.constant 16 : i32
          %mul3A_670 = arith.muli %scan3A_588, %mul3A_669 : i32
          %swap3A_671 = arith.index_cast %scan3A_552 : i32 to index
          %swap3A_672 = arith.index_cast %mul3A_670 : i32 to index
          %swap3A_673 = tpu.vector_load %arg17[%swap3A_671, %swap3A_672] {strides = array<i32>} : memref<32x256xf32, #tpu.memory_space<vmem>>, vector<16xf32>,
          tpu.vector_store %arg17[%swap3A_671, %swap3A_672], %add3A_657 {strides = array<i32>} : memref<32x256xf32, #tpu.memory_space<vmem>>, vector<16xf32>,
          %scan3A_674 = arith.constant 0 : i32
          scf.yield %scan3A_674 : i32
        }
        %scan3A_586 = arith.constant 16 : i32
        %scan3A_587 = arith.constant 0 : i32
        scf.yield %scan3A_587 : i32
      }
      %scan3A_18 = arith.constant 32 : i32
      %scan3A_19 = arith.constant 0 : i32
      %scan3A_20 = arith.constant 0 : i32
      %scan3A_21 = arith.constant 16 : i32
      %scan3A_22 = arith.addi %scan3A_20, %scan3A_21 : i32
      %scan3A_23 = arith.constant 1 : i32
      %scan3A_24 = scf.for %scan3A_552 = %scan3A_20 to %scan3A_22 step %scan3A_23 iter_args(%scan3A_553 = %scan3A_19) -> (i32)  : i32 {
        %mul3A_554 = arith.constant 16 : i32
        %mul3A_555 = arith.muli %scan3A_552, %mul3A_554 : i32
        %get3A_556 = arith.constant 0 : i32
        %get3A_557 = arith.index_cast %get3A_556 : i32 to index
        %get3A_558 = arith.index_cast %mul3A_555 : i32 to index
        %get3A_559 = tpu.vector_load %arg13[%get3A_557, %get3A_558] {strides = array<i32>} : memref<24x256xf32, #tpu.memory_space<vmem>>, vector<16xf32>,
        %get3A_560 = arith.constant 0 : i32
        %get3A_561 = arith.index_cast %get3A_560 : i32 to index
        %get3A_562 = arith.index_cast %mul3A_555 : i32 to index
        %get3A_563 = tpu.vector_load %arg13[%get3A_561, %get3A_562] {strides = array<i32>} : memref<24x256xf32, #tpu.memory_space<vmem>>, vector<16xf32>,
        %get3A_564 = arith.constant 3 : i32
        %get3A_565 = arith.index_cast %get3A_564 : i32 to index
        %get3A_566 = arith.index_cast %mul3A_555 : i32 to index
        %get3A_567 = tpu.vector_load %arg13[%get3A_565, %get3A_566] {strides = array<i32>} : memref<24x256xf32, #tpu.memory_space<vmem>>, vector<16xf32>,
        %min3A_568 = arith.minimumf %get3A_559, %get3A_567 : vector<16xf32>
        %max3A_569 = arith.maximumf %get3A_563, %get3A_567 : vector<16xf32>
        %get3A_570 = arith.constant 6 : i32
        %get3A_571 = arith.index_cast %get3A_570 : i32 to index
        %get3A_572 = arith.index_cast %mul3A_555 : i32 to index
        %get3A_573 = tpu.vector_load %arg13[%get3A_571, %get3A_572] {strides = array<i32>} : memref<24x256xf32, #tpu.memory_space<vmem>>, vector<16xf32>,
        %min3A_574 = arith.minimumf %min3A_568, %get3A_573 : vector<16xf32>
        %max3A_575 = arith.maximumf %max3A_569, %get3A_573 : vector<16xf32>
        %get3A_576 = arith.constant 9 : i32
        %get3A_577 = arith.index_cast %get3A_576 : i32 to index
        %get3A_578 = arith.index_cast %mul3A_555 : i32 to index
        %get3A_579 = tpu.vector_load %arg13[%get3A_577, %get3A_578] {strides = array<i32>} : memref<24x256xf32, #tpu.memory_space<vmem>>, vector<16xf32>,
        %min3A_580 = arith.minimumf %min3A_574, %get3A_579 : vector<16xf32>
        %max3A_581 = arith.maximumf %max3A_575, %get3A_579 : vector<16xf32>
        %get3A_582 = arith.constant 12 : i32
        %get3A_583 = arith.index_cast %get3A_582 : i32 to index
        %get3A_584 = arith.index_cast %mul3A_555 : i32 to index
        %get3A_585 = tpu.vector_load %arg13[%get3A_583, %get3A_584] {strides = array<i32>} : memref<24x256xf32, #tpu.memory_space<vmem>>, vector<16xf32>,
        %min3A_586 = arith.minimumf %min3A_580, %get3A_585 : vector<16xf32>
        %max3A_587 = arith.maximumf %max3A_581, %get3A_585 : vector<16xf32>
        %get3A_588 = arith.constant 15 : i32
        %get3A_589 = arith.index_cast %get3A_588 : i32 to index
        %get3A_590 = arith.index_cast %mul3A_555 : i32 to index
        %get3A_591 = tpu.vector_load %arg13[%get3A_589, %get3A_590] {strides = array<i32>} : memref<24x256xf32, #tpu.memory_space<vmem>>, vector<16xf32>,
        %min3A_592 = arith.minimumf %min3A_586, %get3A_591 : vector<16xf32>
        %max3A_593 = arith.maximumf %max3A_587, %get3A_591 : vector<16xf32>
        %get3A_594 = arith.constant 18 : i32
        %get3A_595 = arith.index_cast %get3A_594 : i32 to index
        %get3A_596 = arith.index_cast %mul3A_555 : i32 to index
        %get3A_597 = tpu.vector_load %arg13[%get3A_595, %get3A_596] {strides = array<i32>} : memref<24x256xf32, #tpu.memory_space<vmem>>, vector<16xf32>,
        %min3A_598 = arith.minimumf %min3A_592, %get3A_597 : vector<16xf32>
        %max3A_599 = arith.maximumf %max3A_593, %get3A_597 : vector<16xf32>
        %get3A_600 = arith.constant 21 : i32
        %get3A_601 = arith.index_cast %get3A_600 : i32 to index
        %get3A_602 = arith.index_cast %mul3A_555 : i32 to index
        %get3A_603 = tpu.vector_load %arg13[%get3A_601, %get3A_602] {strides = array<i32>} : memref<24x256xf32, #tpu.memory_space<vmem>>, vector<16xf32>,
        %min3A_604 = arith.minimumf %min3A_598, %get3A_603 : vector<16xf32>
        %max3A_605 = arith.maximumf %max3A_599, %get3A_603 : vector<16xf32>
        %swap3A_606 = arith.constant 0 : i32
        %swap3A_607 = arith.index_cast %swap3A_606 : i32 to index
        %swap3A_608 = arith.index_cast %mul3A_555 : i32 to index
        %swap3A_609 = tpu.vector_load %arg20[%swap3A_607, %swap3A_608] {strides = array<i32>} : memref<6x256xf32, #tpu.memory_space<vmem>>, vector<16xf32>,
        tpu.vector_store %arg20[%swap3A_607, %swap3A_608], %min3A_604 {strides = array<i32>} : memref<6x256xf32, #tpu.memory_space<vmem>>, vector<16xf32>,
        %swap3A_610 = arith.constant 3 : i32
        %swap3A_611 = arith.index_cast %swap3A_610 : i32 to index
        %swap3A_612 = arith.index_cast %mul3A_555 : i32 to index
        %swap3A_613 = tpu.vector_load %arg20[%swap3A_611, %swap3A_612] {strides = array<i32>} : memref<6x256xf32, #tpu.memory_space<vmem>>, vector<16xf32>,
        tpu.vector_store %arg20[%swap3A_611, %swap3A_612], %max3A_605 {strides = array<i32>} : memref<6x256xf32, #tpu.memory_space<vmem>>, vector<16xf32>,
        %get3A_614 = arith.constant 1 : i32
        %get3A_615 = arith.index_cast %get3A_614 : i32 to index
        %get3A_616 = arith.index_cast %mul3A_555 : i32 to index
        %get3A_617 = tpu.vector_load %arg13[%get3A_615, %get3A_616] {strides = array<i32>} : memref<24x256xf32, #tpu.memory_space<vmem>>, vector<16xf32>,
        %get3A_618 = arith.constant 1 : i32
        %get3A_619 = arith.index_cast %get3A_618 : i32 to index
        %get3A_620 = arith.index_cast %mul3A_555 : i32 to index
        %get3A_621 = tpu.vector_load %arg13[%get3A_619, %get3A_620] {strides = array<i32>} : memref<24x256xf32, #tpu.memory_space<vmem>>, vector<16xf32>,
        %get3A_622 = arith.constant 4 : i32
        %get3A_623 = arith.index_cast %get3A_622 : i32 to index
        %get3A_624 = arith.index_cast %mul3A_555 : i32 to index
        %get3A_625 = tpu.vector_load %arg13[%get3A_623, %get3A_624] {strides = array<i32>} : memref<24x256xf32, #tpu.memory_space<vmem>>, vector<16xf32>,
        %min3A_626 = arith.minimumf %get3A_617, %get3A_625 : vector<16xf32>
        %max3A_627 = arith.maximumf %get3A_621, %get3A_625 : vector<16xf32>
        %get3A_628 = arith.constant 7 : i32
        %get3A_629 = arith.index_cast %get3A_628 : i32 to index
        %get3A_630 = arith.index_cast %mul3A_555 : i32 to index
        %get3A_631 = tpu.vector_load %arg13[%get3A_629, %get3A_630] {strides = array<i32>} : memref<24x256xf32, #tpu.memory_space<vmem>>, vector<16xf32>,
        %min3A_632 = arith.minimumf %min3A_626, %get3A_631 : vector<16xf32>
        %max3A_633 = arith.maximumf %max3A_627, %get3A_631 : vector<16xf32>
        %get3A_634 = arith.constant 10 : i32
        %get3A_635 = arith.index_cast %get3A_634 : i32 to index
        %get3A_636 = arith.index_cast %mul3A_555 : i32 to index
        %get3A_637 = tpu.vector_load %arg13[%get3A_635, %get3A_636] {strides = array<i32>} : memref<24x256xf32, #tpu.memory_space<vmem>>, vector<16xf32>,
        %min3A_638 = arith.minimumf %min3A_632, %get3A_637 : vector<16xf32>
        %max3A_639 = arith.maximumf %max3A_633, %get3A_637 : vector<16xf32>
        %get3A_640 = arith.constant 13 : i32
        %get3A_641 = arith.index_cast %get3A_640 : i32 to index
        %get3A_642 = arith.index_cast %mul3A_555 : i32 to index
        %get3A_643 = tpu.vector_load %arg13[%get3A_641, %get3A_642] {strides = array<i32>} : memref<24x256xf32, #tpu.memory_space<vmem>>, vector<16xf32>,
        %min3A_644 = arith.minimumf %min3A_638, %get3A_643 : vector<16xf32>
        %max3A_645 = arith.maximumf %max3A_639, %get3A_643 : vector<16xf32>
        %get3A_646 = arith.constant 16 : i32
        %get3A_647 = arith.index_cast %get3A_646 : i32 to index
        %get3A_648 = arith.index_cast %mul3A_555 : i32 to index
        %get3A_649 = tpu.vector_load %arg13[%get3A_647, %get3A_648] {strides = array<i32>} : memref<24x256xf32, #tpu.memory_space<vmem>>, vector<16xf32>,
        %min3A_650 = arith.minimumf %min3A_644, %get3A_649 : vector<16xf32>
        %max3A_651 = arith.maximumf %max3A_645, %get3A_649 : vector<16xf32>
        %get3A_652 = arith.constant 19 : i32
        %get3A_653 = arith.index_cast %get3A_652 : i32 to index
        %get3A_654 = arith.index_cast %mul3A_555 : i32 to index
        %get3A_655 = tpu.vector_load %arg13[%get3A_653, %get3A_654] {strides = array<i32>} : memref<24x256xf32, #tpu.memory_space<vmem>>, vector<16xf32>,
        %min3A_656 = arith.minimumf %min3A_650, %get3A_655 : vector<16xf32>
        %max3A_657 = arith.maximumf %max3A_651, %get3A_655 : vector<16xf32>
        %get3A_658 = arith.constant 22 : i32
        %get3A_659 = arith.index_cast %get3A_658 : i32 to index
        %get3A_660 = arith.index_cast %mul3A_555 : i32 to index
        %get3A_661 = tpu.vector_load %arg13[%get3A_659, %get3A_660] {strides = array<i32>} : memref<24x256xf32, #tpu.memory_space<vmem>>, vector<16xf32>,
        %min3A_662 = arith.minimumf %min3A_656, %get3A_661 : vector<16xf32>
        %max3A_663 = arith.maximumf %max3A_657, %get3A_661 : vector<16xf32>
        %swap3A_664 = arith.constant 1 : i32
        %swap3A_665 = arith.index_cast %swap3A_664 : i32 to index
        %swap3A_666 = arith.index_cast %mul3A_555 : i32 to index
        %swap3A_667 = tpu.vector_load %arg20[%swap3A_665, %swap3A_666] {strides = array<i32>} : memref<6x256xf32, #tpu.memory_space<vmem>>, vector<16xf32>,
        tpu.vector_store %arg20[%swap3A_665, %swap3A_666], %min3A_662 {strides = array<i32>} : memref<6x256xf32, #tpu.memory_space<vmem>>, vector<16xf32>,
        %swap3A_668 = arith.constant 4 : i32
        %swap3A_669 = arith.index_cast %swap3A_668 : i32 to index
        %swap3A_670 = arith.index_cast %mul3A_555 : i32 to index
        %swap3A_671 = tpu.vector_load %arg20[%swap3A_669, %swap3A_670] {strides = array<i32>} : memref<6x256xf32, #tpu.memory_space<vmem>>, vector<16xf32>,
        tpu.vector_store %arg20[%swap3A_669, %swap3A_670], %max3A_663 {strides = array<i32>} : memref<6x256xf32, #tpu.memory_space<vmem>>, vector<16xf32>,
        %get3A_672 = arith.constant 2 : i32
        %get3A_673 = arith.index_cast %get3A_672 : i32 to index
        %get3A_674 = arith.index_cast %mul3A_555 : i32 to index
        %get3A_675 = tpu.vector_load %arg13[%get3A_673, %get3A_674] {strides = array<i32>} : memref<24x256xf32, #tpu.memory_space<vmem>>, vector<16xf32>,
        %get3A_676 = arith.constant 2 : i32
        %get3A_677 = arith.index_cast %get3A_676 : i32 to index
        %get3A_678 = arith.index_cast %mul3A_555 : i32 to index
        %get3A_679 = tpu.vector_load %arg13[%get3A_677, %get3A_678] {strides = array<i32>} : memref<24x256xf32, #tpu.memory_space<vmem>>, vector<16xf32>,
        %get3A_680 = arith.constant 5 : i32
        %get3A_681 = arith.index_cast %get3A_680 : i32 to index
        %get3A_682 = arith.index_cast %mul3A_555 : i32 to index
        %get3A_683 = tpu.vector_load %arg13[%get3A_681, %get3A_682] {strides = array<i32>} : memref<24x256xf32, #tpu.memory_space<vmem>>, vector<16xf32>,
        %min3A_684 = arith.minimumf %get3A_675, %get3A_683 : vector<16xf32>
        %max3A_685 = arith.maximumf %get3A_679, %get3A_683 : vector<16xf32>
        %get3A_686 = arith.constant 8 : i32
        %get3A_687 = arith.index_cast %get3A_686 : i32 to index
        %get3A_688 = arith.index_cast %mul3A_555 : i32 to index
        %get3A_689 = tpu.vector_load %arg13[%get3A_687, %get3A_688] {strides = array<i32>} : memref<24x256xf32, #tpu.memory_space<vmem>>, vector<16xf32>,
        %min3A_690 = arith.minimumf %min3A_684, %get3A_689 : vector<16xf32>
        %max3A_691 = arith.maximumf %max3A_685, %get3A_689 : vector<16xf32>
        %get3A_692 = arith.constant 11 : i32
        %get3A_693 = arith.index_cast %get3A_692 : i32 to index
        %get3A_694 = arith.index_cast %mul3A_555 : i32 to index
        %get3A_695 = tpu.vector_load %arg13[%get3A_693, %get3A_694] {strides = array<i32>} : memref<24x256xf32, #tpu.memory_space<vmem>>, vector<16xf32>,
        %min3A_696 = arith.minimumf %min3A_690, %get3A_695 : vector<16xf32>
        %max3A_697 = arith.maximumf %max3A_691, %get3A_695 : vector<16xf32>
        %get3A_698 = arith.constant 14 : i32
        %get3A_699 = arith.index_cast %get3A_698 : i32 to index
        %get3A_700 = arith.index_cast %mul3A_555 : i32 to index
        %get3A_701 = tpu.vector_load %arg13[%get3A_699, %get3A_700] {strides = array<i32>} : memref<24x256xf32, #tpu.memory_space<vmem>>, vector<16xf32>,
        %min3A_702 = arith.minimumf %min3A_696, %get3A_701 : vector<16xf32>
        %max3A_703 = arith.maximumf %max3A_697, %get3A_701 : vector<16xf32>
        %get3A_704 = arith.constant 17 : i32
        %get3A_705 = arith.index_cast %get3A_704 : i32 to index
        %get3A_706 = arith.index_cast %mul3A_555 : i32 to index
        %get3A_707 = tpu.vector_load %arg13[%get3A_705, %get3A_706] {strides = array<i32>} : memref<24x256xf32, #tpu.memory_space<vmem>>, vector<16xf32>,
        %min3A_708 = arith.minimumf %min3A_702, %get3A_707 : vector<16xf32>
        %max3A_709 = arith.maximumf %max3A_703, %get3A_707 : vector<16xf32>
        %get3A_710 = arith.constant 20 : i32
        %get3A_711 = arith.index_cast %get3A_710 : i32 to index
        %get3A_712 = arith.index_cast %mul3A_555 : i32 to index
        %get3A_713 = tpu.vector_load %arg13[%get3A_711, %get3A_712] {strides = array<i32>} : memref<24x256xf32, #tpu.memory_space<vmem>>, vector<16xf32>,
        %min3A_714 = arith.minimumf %min3A_708, %get3A_713 : vector<16xf32>
        %max3A_715 = arith.maximumf %max3A_709, %get3A_713 : vector<16xf32>
        %get3A_716 = arith.constant 23 : i32
        %get3A_717 = arith.index_cast %get3A_716 : i32 to index
        %get3A_718 = arith.index_cast %mul3A_555 : i32 to index
        %get3A_719 = tpu.vector_load %arg13[%get3A_717, %get3A_718] {strides = array<i32>} : memref<24x256xf32, #tpu.memory_space<vmem>>, vector<16xf32>,
        %min3A_720 = arith.minimumf %min3A_714, %get3A_719 : vector<16xf32>
        %max3A_721 = arith.maximumf %max3A_715, %get3A_719 : vector<16xf32>
        %swap3A_722 = arith.constant 2 : i32
        %swap3A_723 = arith.index_cast %swap3A_722 : i32 to index
        %swap3A_724 = arith.index_cast %mul3A_555 : i32 to index
        %swap3A_725 = tpu.vector_load %arg20[%swap3A_723, %swap3A_724] {strides = array<i32>} : memref<6x256xf32, #tpu.memory_space<vmem>>, vector<16xf32>,
        tpu.vector_store %arg20[%swap3A_723, %swap3A_724], %min3A_720 {strides = array<i32>} : memref<6x256xf32, #tpu.memory_space<vmem>>, vector<16xf32>,
        %swap3A_726 = arith.constant 5 : i32
        %swap3A_727 = arith.index_cast %swap3A_726 : i32 to index
        %swap3A_728 = arith.index_cast %mul3A_555 : i32 to index
        %swap3A_729 = tpu.vector_load %arg20[%swap3A_727, %swap3A_728] {strides = array<i32>} : memref<6x256xf32, #tpu.memory_space<vmem>>, vector<16xf32>,
        tpu.vector_store %arg20[%swap3A_727, %swap3A_728], %max3A_721 {strides = array<i32>} : memref<6x256xf32, #tpu.memory_space<vmem>>, vector<16xf32>,
        %scan3A_730 = arith.constant 0 : i32
        scf.yield %scan3A_730 : i32
      }
      %scan3A_25 = arith.constant 16 : i32
      %scan3A_26 = arith.constant 0 : i32
      %scan3A_27 = arith.constant 0 : i32
      %scan3A_28 = arith.constant 32 : i32
      %scan3A_29 = arith.addi %scan3A_27, %scan3A_28 : i32
      %scan3A_30 = arith.constant 1 : i32
      %scan3A_31 = scf.for %scan3A_552 = %scan3A_27 to %scan3A_29 step %scan3A_30 iter_args(%scan3A_553 = %scan3A_26) -> (i32)  : i32 {
        %get3A_554 = arith.index_cast %scan3A_552 : i32 to index
        %get3A_555 = arith.constant 0 : index
        %get3A_556 = tpu.vector_load %arg15[%get3A_554, %get3A_555] {strides = array<i32>} : memref<32x256xf32, #tpu.memory_space<vmem>>, vector<16xf32>,
        %get3A_557 = arith.constant 0 : index
        %get3A_558 = tpu.vector_load %arg18[%get3A_557] {strides = array<i32>} : memref<256xf32, #tpu.memory_space<vmem>>, vector<16xf32>,
        %gt3A = arith.constant 5.000000e-01 : f32
        %gt3A_559 = vector.broadcast %gt3A : f32 to vector<16xf32>
        %gt3A_560 = arith.cmpf ogt, %get3A_558, %gt3A_559 : vector<16xf32>
        %jit3A_561 = arith.constant 0x7F800000 : f32
        %broadcast_in_dim3A_562 = vector.broadcast %jit3A_561 : f32 to vector<16xf32>
        %select_n3A_563 = arith.select %gt3A_560, %broadcast_in_dim3A_562, %get3A_556 : vector<16xi1>, vector<16xf32>
        %get3A_564 = arith.index_cast %scan3A_552 : i32 to index
        %get3A_565 = arith.constant 16 : index
        %get3A_566 = tpu.vector_load %arg15[%get3A_564, %get3A_565] {strides = array<i32>} : memref<32x256xf32, #tpu.memory_space<vmem>>, vector<16xf32>,
        %get3A_567 = arith.constant 16 : index
        %get3A_568 = tpu.vector_load %arg18[%get3A_567] {strides = array<i32>} : memref<256xf32, #tpu.memory_space<vmem>>, vector<16xf32>,
        %gt3A_569 = arith.constant 5.000000e-01 : f32
        %gt3A_570 = vector.broadcast %gt3A_569 : f32 to vector<16xf32>
        %gt3A_571 = arith.cmpf ogt, %get3A_568, %gt3A_570 : vector<16xf32>
        %jit3A_572 = arith.constant 0x7F800000 : f32
        %broadcast_in_dim3A_573 = vector.broadcast %jit3A_572 : f32 to vector<16xf32>
        %select_n3A_574 = arith.select %gt3A_571, %broadcast_in_dim3A_573, %get3A_566 : vector<16xi1>, vector<16xf32>
        %get3A_575 = arith.index_cast %scan3A_552 : i32 to index
        %get3A_576 = arith.constant 32 : index
        %get3A_577 = tpu.vector_load %arg15[%get3A_575, %get3A_576] {strides = array<i32>} : memref<32x256xf32, #tpu.memory_space<vmem>>, vector<16xf32>,
        %get3A_578 = arith.constant 32 : index
        %get3A_579 = tpu.vector_load %arg18[%get3A_578] {strides = array<i32>} : memref<256xf32, #tpu.memory_space<vmem>>, vector<16xf32>,
        %gt3A_580 = arith.constant 5.000000e-01 : f32
        %gt3A_581 = vector.broadcast %gt3A_580 : f32 to vector<16xf32>
        %gt3A_582 = arith.cmpf ogt, %get3A_579, %gt3A_581 : vector<16xf32>
        %jit3A_583 = arith.constant 0x7F800000 : f32
        %broadcast_in_dim3A_584 = vector.broadcast %jit3A_583 : f32 to vector<16xf32>
        %select_n3A_585 = arith.select %gt3A_582, %broadcast_in_dim3A_584, %get3A_577 : vector<16xi1>, vector<16xf32>
        %get3A_586 = arith.index_cast %scan3A_552 : i32 to index
        %get3A_587 = arith.constant 48 : index
        %get3A_588 = tpu.vector_load %arg15[%get3A_586, %get3A_587] {strides = array<i32>} : memref<32x256xf32, #tpu.memory_space<vmem>>, vector<16xf32>,
        %get3A_589 = arith.constant 48 : index
        %get3A_590 = tpu.vector_load %arg18[%get3A_589] {strides = array<i32>} : memref<256xf32, #tpu.memory_space<vmem>>, vector<16xf32>,
        %gt3A_591 = arith.constant 5.000000e-01 : f32
        %gt3A_592 = vector.broadcast %gt3A_591 : f32 to vector<16xf32>
        %gt3A_593 = arith.cmpf ogt, %get3A_590, %gt3A_592 : vector<16xf32>
        %jit3A_594 = arith.constant 0x7F800000 : f32
        %broadcast_in_dim3A_595 = vector.broadcast %jit3A_594 : f32 to vector<16xf32>
        %select_n3A_596 = arith.select %gt3A_593, %broadcast_in_dim3A_595, %get3A_588 : vector<16xi1>, vector<16xf32>
        %get3A_597 = arith.index_cast %scan3A_552 : i32 to index
        %get3A_598 = arith.constant 64 : index
        %get3A_599 = tpu.vector_load %arg15[%get3A_597, %get3A_598] {strides = array<i32>} : memref<32x256xf32, #tpu.memory_space<vmem>>, vector<16xf32>,
        %get3A_600 = arith.constant 64 : index
        %get3A_601 = tpu.vector_load %arg18[%get3A_600] {strides = array<i32>} : memref<256xf32, #tpu.memory_space<vmem>>, vector<16xf32>,
        %gt3A_602 = arith.constant 5.000000e-01 : f32
        %gt3A_603 = vector.broadcast %gt3A_602 : f32 to vector<16xf32>
        %gt3A_604 = arith.cmpf ogt, %get3A_601, %gt3A_603 : vector<16xf32>
        %jit3A_605 = arith.constant 0x7F800000 : f32
        %broadcast_in_dim3A_606 = vector.broadcast %jit3A_605 : f32 to vector<16xf32>
        %select_n3A_607 = arith.select %gt3A_604, %broadcast_in_dim3A_606, %get3A_599 : vector<16xi1>, vector<16xf32>
        %get3A_608 = arith.index_cast %scan3A_552 : i32 to index
        %get3A_609 = arith.constant 80 : index
        %get3A_610 = tpu.vector_load %arg15[%get3A_608, %get3A_609] {strides = array<i32>} : memref<32x256xf32, #tpu.memory_space<vmem>>, vector<16xf32>,
        %get3A_611 = arith.constant 80 : index
        %get3A_612 = tpu.vector_load %arg18[%get3A_611] {strides = array<i32>} : memref<256xf32, #tpu.memory_space<vmem>>, vector<16xf32>,
        %gt3A_613 = arith.constant 5.000000e-01 : f32
        %gt3A_614 = vector.broadcast %gt3A_613 : f32 to vector<16xf32>
        %gt3A_615 = arith.cmpf ogt, %get3A_612, %gt3A_614 : vector<16xf32>
        %jit3A_616 = arith.constant 0x7F800000 : f32
        %broadcast_in_dim3A_617 = vector.broadcast %jit3A_616 : f32 to vector<16xf32>
        %select_n3A_618 = arith.select %gt3A_615, %broadcast_in_dim3A_617, %get3A_610 : vector<16xi1>, vector<16xf32>
        %get3A_619 = arith.index_cast %scan3A_552 : i32 to index
        %get3A_620 = arith.constant 96 : index
        %get3A_621 = tpu.vector_load %arg15[%get3A_619, %get3A_620] {strides = array<i32>} : memref<32x256xf32, #tpu.memory_space<vmem>>, vector<16xf32>,
        %get3A_622 = arith.constant 96 : index
        %get3A_623 = tpu.vector_load %arg18[%get3A_622] {strides = array<i32>} : memref<256xf32, #tpu.memory_space<vmem>>, vector<16xf32>,
        %gt3A_624 = arith.constant 5.000000e-01 : f32
        %gt3A_625 = vector.broadcast %gt3A_624 : f32 to vector<16xf32>
        %gt3A_626 = arith.cmpf ogt, %get3A_623, %gt3A_625 : vector<16xf32>
        %jit3A_627 = arith.constant 0x7F800000 : f32
        %broadcast_in_dim3A_628 = vector.broadcast %jit3A_627 : f32 to vector<16xf32>
        %select_n3A_629 = arith.select %gt3A_626, %broadcast_in_dim3A_628, %get3A_621 : vector<16xi1>, vector<16xf32>
        %get3A_630 = arith.index_cast %scan3A_552 : i32 to index
        %get3A_631 = arith.constant 112 : index
        %get3A_632 = tpu.vector_load %arg15[%get3A_630, %get3A_631] {strides = array<i32>} : memref<32x256xf32, #tpu.memory_space<vmem>>, vector<16xf32>,
        %get3A_633 = arith.constant 112 : index
        %get3A_634 = tpu.vector_load %arg18[%get3A_633] {strides = array<i32>} : memref<256xf32, #tpu.memory_space<vmem>>, vector<16xf32>,
        %gt3A_635 = arith.constant 5.000000e-01 : f32
        %gt3A_636 = vector.broadcast %gt3A_635 : f32 to vector<16xf32>
        %gt3A_637 = arith.cmpf ogt, %get3A_634, %gt3A_636 : vector<16xf32>
        %jit3A_638 = arith.constant 0x7F800000 : f32
        %broadcast_in_dim3A_639 = vector.broadcast %jit3A_638 : f32 to vector<16xf32>
        %select_n3A_640 = arith.select %gt3A_637, %broadcast_in_dim3A_639, %get3A_632 : vector<16xi1>, vector<16xf32>
        %get3A_641 = arith.index_cast %scan3A_552 : i32 to index
        %get3A_642 = arith.constant 128 : index
        %get3A_643 = tpu.vector_load %arg15[%get3A_641, %get3A_642] {strides = array<i32>} : memref<32x256xf32, #tpu.memory_space<vmem>>, vector<16xf32>,
        %get3A_644 = arith.constant 128 : index
        %get3A_645 = tpu.vector_load %arg18[%get3A_644] {strides = array<i32>} : memref<256xf32, #tpu.memory_space<vmem>>, vector<16xf32>,
        %gt3A_646 = arith.constant 5.000000e-01 : f32
        %gt3A_647 = vector.broadcast %gt3A_646 : f32 to vector<16xf32>
        %gt3A_648 = arith.cmpf ogt, %get3A_645, %gt3A_647 : vector<16xf32>
        %jit3A_649 = arith.constant 0x7F800000 : f32
        %broadcast_in_dim3A_650 = vector.broadcast %jit3A_649 : f32 to vector<16xf32>
        %select_n3A_651 = arith.select %gt3A_648, %broadcast_in_dim3A_650, %get3A_643 : vector<16xi1>, vector<16xf32>
        %get3A_652 = arith.index_cast %scan3A_552 : i32 to index
        %get3A_653 = arith.constant 144 : index
        %get3A_654 = tpu.vector_load %arg15[%get3A_652, %get3A_653] {strides = array<i32>} : memref<32x256xf32, #tpu.memory_space<vmem>>, vector<16xf32>,
        %get3A_655 = arith.constant 144 : index
        %get3A_656 = tpu.vector_load %arg18[%get3A_655] {strides = array<i32>} : memref<256xf32, #tpu.memory_space<vmem>>, vector<16xf32>,
        %gt3A_657 = arith.constant 5.000000e-01 : f32
        %gt3A_658 = vector.broadcast %gt3A_657 : f32 to vector<16xf32>
        %gt3A_659 = arith.cmpf ogt, %get3A_656, %gt3A_658 : vector<16xf32>
        %jit3A_660 = arith.constant 0x7F800000 : f32
        %broadcast_in_dim3A_661 = vector.broadcast %jit3A_660 : f32 to vector<16xf32>
        %select_n3A_662 = arith.select %gt3A_659, %broadcast_in_dim3A_661, %get3A_654 : vector<16xi1>, vector<16xf32>
        %get3A_663 = arith.index_cast %scan3A_552 : i32 to index
        %get3A_664 = arith.constant 160 : index
        %get3A_665 = tpu.vector_load %arg15[%get3A_663, %get3A_664] {strides = array<i32>} : memref<32x256xf32, #tpu.memory_space<vmem>>, vector<16xf32>,
        %get3A_666 = arith.constant 160 : index
        %get3A_667 = tpu.vector_load %arg18[%get3A_666] {strides = array<i32>} : memref<256xf32, #tpu.memory_space<vmem>>, vector<16xf32>,
        %gt3A_668 = arith.constant 5.000000e-01 : f32
        %gt3A_669 = vector.broadcast %gt3A_668 : f32 to vector<16xf32>
        %gt3A_670 = arith.cmpf ogt, %get3A_667, %gt3A_669 : vector<16xf32>
        %jit3A_671 = arith.constant 0x7F800000 : f32
        %broadcast_in_dim3A_672 = vector.broadcast %jit3A_671 : f32 to vector<16xf32>
        %select_n3A_673 = arith.select %gt3A_670, %broadcast_in_dim3A_672, %get3A_665 : vector<16xi1>, vector<16xf32>
        %get3A_674 = arith.index_cast %scan3A_552 : i32 to index
        %get3A_675 = arith.constant 176 : index
        %get3A_676 = tpu.vector_load %arg15[%get3A_674, %get3A_675] {strides = array<i32>} : memref<32x256xf32, #tpu.memory_space<vmem>>, vector<16xf32>,
        %get3A_677 = arith.constant 176 : index
        %get3A_678 = tpu.vector_load %arg18[%get3A_677] {strides = array<i32>} : memref<256xf32, #tpu.memory_space<vmem>>, vector<16xf32>,
        %gt3A_679 = arith.constant 5.000000e-01 : f32
        %gt3A_680 = vector.broadcast %gt3A_679 : f32 to vector<16xf32>
        %gt3A_681 = arith.cmpf ogt, %get3A_678, %gt3A_680 : vector<16xf32>
        %jit3A_682 = arith.constant 0x7F800000 : f32
        %broadcast_in_dim3A_683 = vector.broadcast %jit3A_682 : f32 to vector<16xf32>
        %select_n3A_684 = arith.select %gt3A_681, %broadcast_in_dim3A_683, %get3A_676 : vector<16xi1>, vector<16xf32>
        %get3A_685 = arith.index_cast %scan3A_552 : i32 to index
        %get3A_686 = arith.constant 192 : index
        %get3A_687 = tpu.vector_load %arg15[%get3A_685, %get3A_686] {strides = array<i32>} : memref<32x256xf32, #tpu.memory_space<vmem>>, vector<16xf32>,
        %get3A_688 = arith.constant 192 : index
        %get3A_689 = tpu.vector_load %arg18[%get3A_688] {strides = array<i32>} : memref<256xf32, #tpu.memory_space<vmem>>, vector<16xf32>,
        %gt3A_690 = arith.constant 5.000000e-01 : f32
        %gt3A_691 = vector.broadcast %gt3A_690 : f32 to vector<16xf32>
        %gt3A_692 = arith.cmpf ogt, %get3A_689, %gt3A_691 : vector<16xf32>
        %jit3A_693 = arith.constant 0x7F800000 : f32
        %broadcast_in_dim3A_694 = vector.broadcast %jit3A_693 : f32 to vector<16xf32>
        %select_n3A_695 = arith.select %gt3A_692, %broadcast_in_dim3A_694, %get3A_687 : vector<16xi1>, vector<16xf32>
        %get3A_696 = arith.index_cast %scan3A_552 : i32 to index
        %get3A_697 = arith.constant 208 : index
        %get3A_698 = tpu.vector_load %arg15[%get3A_696, %get3A_697] {strides = array<i32>} : memref<32x256xf32, #tpu.memory_space<vmem>>, vector<16xf32>,
        %get3A_699 = arith.constant 208 : index
        %get3A_700 = tpu.vector_load %arg18[%get3A_699] {strides = array<i32>} : memref<256xf32, #tpu.memory_space<vmem>>, vector<16xf32>,
        %gt3A_701 = arith.constant 5.000000e-01 : f32
        %gt3A_702 = vector.broadcast %gt3A_701 : f32 to vector<16xf32>
        %gt3A_703 = arith.cmpf ogt, %get3A_700, %gt3A_702 : vector<16xf32>
        %jit3A_704 = arith.constant 0x7F800000 : f32
        %broadcast_in_dim3A_705 = vector.broadcast %jit3A_704 : f32 to vector<16xf32>
        %select_n3A_706 = arith.select %gt3A_703, %broadcast_in_dim3A_705, %get3A_698 : vector<16xi1>, vector<16xf32>
        %get3A_707 = arith.index_cast %scan3A_552 : i32 to index
        %get3A_708 = arith.constant 224 : index
        %get3A_709 = tpu.vector_load %arg15[%get3A_707, %get3A_708] {strides = array<i32>} : memref<32x256xf32, #tpu.memory_space<vmem>>, vector<16xf32>,
        %get3A_710 = arith.constant 224 : index
        %get3A_711 = tpu.vector_load %arg18[%get3A_710] {strides = array<i32>} : memref<256xf32, #tpu.memory_space<vmem>>, vector<16xf32>,
        %gt3A_712 = arith.constant 5.000000e-01 : f32
        %gt3A_713 = vector.broadcast %gt3A_712 : f32 to vector<16xf32>
        %gt3A_714 = arith.cmpf ogt, %get3A_711, %gt3A_713 : vector<16xf32>
        %jit3A_715 = arith.constant 0x7F800000 : f32
        %broadcast_in_dim3A_716 = vector.broadcast %jit3A_715 : f32 to vector<16xf32>
        %select_n3A_717 = arith.select %gt3A_714, %broadcast_in_dim3A_716, %get3A_709 : vector<16xi1>, vector<16xf32>
        %get3A_718 = arith.index_cast %scan3A_552 : i32 to index
        %get3A_719 = arith.constant 240 : index
        %get3A_720 = tpu.vector_load %arg15[%get3A_718, %get3A_719] {strides = array<i32>} : memref<32x256xf32, #tpu.memory_space<vmem>>, vector<16xf32>,
        %get3A_721 = arith.constant 240 : index
        %get3A_722 = tpu.vector_load %arg18[%get3A_721] {strides = array<i32>} : memref<256xf32, #tpu.memory_space<vmem>>, vector<16xf32>,
        %gt3A_723 = arith.constant 5.000000e-01 : f32
        %gt3A_724 = vector.broadcast %gt3A_723 : f32 to vector<16xf32>
        %gt3A_725 = arith.cmpf ogt, %get3A_722, %gt3A_724 : vector<16xf32>
        %jit3A_726 = arith.constant 0x7F800000 : f32
        %broadcast_in_dim3A_727 = vector.broadcast %jit3A_726 : f32 to vector<16xf32>
        %select_n3A_728 = arith.select %gt3A_725, %broadcast_in_dim3A_727, %get3A_720 : vector<16xi1>, vector<16xf32>
        %min3A_729 = arith.minimumf %select_n3A_563, %select_n3A_574 : vector<16xf32>
        %min3A_730 = arith.minimumf %min3A_729, %select_n3A_585 : vector<16xf32>
        %min3A_731 = arith.minimumf %min3A_730, %select_n3A_596 : vector<16xf32>
        %min3A_732 = arith.minimumf %min3A_731, %select_n3A_607 : vector<16xf32>
        %min3A_733 = arith.minimumf %min3A_732, %select_n3A_618 : vector<16xf32>
        %min3A_734 = arith.minimumf %min3A_733, %select_n3A_629 : vector<16xf32>
        %min3A_735 = arith.minimumf %min3A_734, %select_n3A_640 : vector<16xf32>
        %min3A_736 = arith.minimumf %min3A_735, %select_n3A_651 : vector<16xf32>
        %min3A_737 = arith.minimumf %min3A_736, %select_n3A_662 : vector<16xf32>
        %min3A_738 = arith.minimumf %min3A_737, %select_n3A_673 : vector<16xf32>
        %min3A_739 = arith.minimumf %min3A_738, %select_n3A_684 : vector<16xf32>
        %min3A_740 = arith.minimumf %min3A_739, %select_n3A_695 : vector<16xf32>
        %min3A_741 = arith.minimumf %min3A_740, %select_n3A_706 : vector<16xf32>
        %min3A_742 = arith.minimumf %min3A_741, %select_n3A_717 : vector<16xf32>
        %min3A_743 = arith.minimumf %min3A_742, %select_n3A_728 : vector<16xf32>
        %reduce_min3A = arith.constant true
        %reduce_min3A_744 = vector.broadcast %reduce_min3A : i1 to vector<16xi1>
        %reduce_min3A_745 = tpu.scan <min>, %min3A_743 masked %reduce_min3A_744 : vector<16xf32>, vector<16xi1> -> vector<16xf32>
        %reduce_min3A_746 = vector.extract %reduce_min3A_745[15] : f32 from vector<16xf32>
        %broadcast_in_dim3A_747 = arith.constant 1024 : i32
        %broadcast_in_dim3A_748 = vector.broadcast %broadcast_in_dim3A_747 : i32 to vector<16xi32>
        %eq3A_749 = vector.broadcast %reduce_min3A_746 : f32 to vector<16xf32>
        %eq3A_750 = arith.cmpf oeq, %select_n3A_563, %eq3A_749 : vector<16xf32>
        %add3A_751 = arith.constant 0 : i32
        %add3A_752 = vector.broadcast %add3A_751 : i32 to vector<16xi32>
        %add3A_753 = arith.addi %iota3A, %add3A_752 : vector<16xi32>
        %jit3A_754 = arith.constant 1024 : i32
        %broadcast_in_dim3A_755 = vector.broadcast %jit3A_754 : i32 to vector<16xi32>
        %select_n3A_756 = arith.select %eq3A_750, %add3A_753, %broadcast_in_dim3A_755 : vector<16xi1>, vector<16xi32>
        %min3A_757 = arith.minsi %broadcast_in_dim3A_748, %select_n3A_756 : vector<16xi32>
        %eq3A_758 = vector.broadcast %reduce_min3A_746 : f32 to vector<16xf32>
        %eq3A_759 = arith.cmpf oeq, %select_n3A_574, %eq3A_758 : vector<16xf32>
        %add3A_760 = arith.constant 16 : i32
        %add3A_761 = vector.broadcast %add3A_760 : i32 to vector<16xi32>
        %add3A_762 = arith.addi %iota3A, %add3A_761 : vector<16xi32>
        %jit3A_763 = arith.constant 1024 : i32
        %broadcast_in_dim3A_764 = vector.broadcast %jit3A_763 : i32 to vector<16xi32>
        %select_n3A_765 = arith.select %eq3A_759, %add3A_762, %broadcast_in_dim3A_764 : vector<16xi1>, vector<16xi32>
        %min3A_766 = arith.minsi %min3A_757, %select_n3A_765 : vector<16xi32>
        %eq3A_767 = vector.broadcast %reduce_min3A_746 : f32 to vector<16xf32>
        %eq3A_768 = arith.cmpf oeq, %select_n3A_585, %eq3A_767 : vector<16xf32>
        %add3A_769 = arith.constant 32 : i32
        %add3A_770 = vector.broadcast %add3A_769 : i32 to vector<16xi32>
        %add3A_771 = arith.addi %iota3A, %add3A_770 : vector<16xi32>
        %jit3A_772 = arith.constant 1024 : i32
        %broadcast_in_dim3A_773 = vector.broadcast %jit3A_772 : i32 to vector<16xi32>
        %select_n3A_774 = arith.select %eq3A_768, %add3A_771, %broadcast_in_dim3A_773 : vector<16xi1>, vector<16xi32>
        %min3A_775 = arith.minsi %min3A_766, %select_n3A_774 : vector<16xi32>
        %eq3A_776 = vector.broadcast %reduce_min3A_746 : f32 to vector<16xf32>
        %eq3A_777 = arith.cmpf oeq, %select_n3A_596, %eq3A_776 : vector<16xf32>
        %add3A_778 = arith.constant 48 : i32
        %add3A_779 = vector.broadcast %add3A_778 : i32 to vector<16xi32>
        %add3A_780 = arith.addi %iota3A, %add3A_779 : vector<16xi32>
        %jit3A_781 = arith.constant 1024 : i32
        %broadcast_in_dim3A_782 = vector.broadcast %jit3A_781 : i32 to vector<16xi32>
        %select_n3A_783 = arith.select %eq3A_777, %add3A_780, %broadcast_in_dim3A_782 : vector<16xi1>, vector<16xi32>
        %min3A_784 = arith.minsi %min3A_775, %select_n3A_783 : vector<16xi32>
        %eq3A_785 = vector.broadcast %reduce_min3A_746 : f32 to vector<16xf32>
        %eq3A_786 = arith.cmpf oeq, %select_n3A_607, %eq3A_785 : vector<16xf32>
        %add3A_787 = arith.constant 64 : i32
        %add3A_788 = vector.broadcast %add3A_787 : i32 to vector<16xi32>
        %add3A_789 = arith.addi %iota3A, %add3A_788 : vector<16xi32>
        %jit3A_790 = arith.constant 1024 : i32
        %broadcast_in_dim3A_791 = vector.broadcast %jit3A_790 : i32 to vector<16xi32>
        %select_n3A_792 = arith.select %eq3A_786, %add3A_789, %broadcast_in_dim3A_791 : vector<16xi1>, vector<16xi32>
        %min3A_793 = arith.minsi %min3A_784, %select_n3A_792 : vector<16xi32>
        %eq3A_794 = vector.broadcast %reduce_min3A_746 : f32 to vector<16xf32>
        %eq3A_795 = arith.cmpf oeq, %select_n3A_618, %eq3A_794 : vector<16xf32>
        %add3A_796 = arith.constant 80 : i32
        %add3A_797 = vector.broadcast %add3A_796 : i32 to vector<16xi32>
        %add3A_798 = arith.addi %iota3A, %add3A_797 : vector<16xi32>
        %jit3A_799 = arith.constant 1024 : i32
        %broadcast_in_dim3A_800 = vector.broadcast %jit3A_799 : i32 to vector<16xi32>
        %select_n3A_801 = arith.select %eq3A_795, %add3A_798, %broadcast_in_dim3A_800 : vector<16xi1>, vector<16xi32>
        %min3A_802 = arith.minsi %min3A_793, %select_n3A_801 : vector<16xi32>
        %eq3A_803 = vector.broadcast %reduce_min3A_746 : f32 to vector<16xf32>
        %eq3A_804 = arith.cmpf oeq, %select_n3A_629, %eq3A_803 : vector<16xf32>
        %add3A_805 = arith.constant 96 : i32
        %add3A_806 = vector.broadcast %add3A_805 : i32 to vector<16xi32>
        %add3A_807 = arith.addi %iota3A, %add3A_806 : vector<16xi32>
        %jit3A_808 = arith.constant 1024 : i32
        %broadcast_in_dim3A_809 = vector.broadcast %jit3A_808 : i32 to vector<16xi32>
        %select_n3A_810 = arith.select %eq3A_804, %add3A_807, %broadcast_in_dim3A_809 : vector<16xi1>, vector<16xi32>
        %min3A_811 = arith.minsi %min3A_802, %select_n3A_810 : vector<16xi32>
        %eq3A_812 = vector.broadcast %reduce_min3A_746 : f32 to vector<16xf32>
        %eq3A_813 = arith.cmpf oeq, %select_n3A_640, %eq3A_812 : vector<16xf32>
        %add3A_814 = arith.constant 112 : i32
        %add3A_815 = vector.broadcast %add3A_814 : i32 to vector<16xi32>
        %add3A_816 = arith.addi %iota3A, %add3A_815 : vector<16xi32>
        %jit3A_817 = arith.constant 1024 : i32
        %broadcast_in_dim3A_818 = vector.broadcast %jit3A_817 : i32 to vector<16xi32>
        %select_n3A_819 = arith.select %eq3A_813, %add3A_816, %broadcast_in_dim3A_818 : vector<16xi1>, vector<16xi32>
        %min3A_820 = arith.minsi %min3A_811, %select_n3A_819 : vector<16xi32>
        %eq3A_821 = vector.broadcast %reduce_min3A_746 : f32 to vector<16xf32>
        %eq3A_822 = arith.cmpf oeq, %select_n3A_651, %eq3A_821 : vector<16xf32>
        %add3A_823 = arith.constant 128 : i32
        %add3A_824 = vector.broadcast %add3A_823 : i32 to vector<16xi32>
        %add3A_825 = arith.addi %iota3A, %add3A_824 : vector<16xi32>
        %jit3A_826 = arith.constant 1024 : i32
        %broadcast_in_dim3A_827 = vector.broadcast %jit3A_826 : i32 to vector<16xi32>
        %select_n3A_828 = arith.select %eq3A_822, %add3A_825, %broadcast_in_dim3A_827 : vector<16xi1>, vector<16xi32>
        %min3A_829 = arith.minsi %min3A_820, %select_n3A_828 : vector<16xi32>
        %eq3A_830 = vector.broadcast %reduce_min3A_746 : f32 to vector<16xf32>
        %eq3A_831 = arith.cmpf oeq, %select_n3A_662, %eq3A_830 : vector<16xf32>
        %add3A_832 = arith.constant 144 : i32
        %add3A_833 = vector.broadcast %add3A_832 : i32 to vector<16xi32>
        %add3A_834 = arith.addi %iota3A, %add3A_833 : vector<16xi32>
        %jit3A_835 = arith.constant 1024 : i32
        %broadcast_in_dim3A_836 = vector.broadcast %jit3A_835 : i32 to vector<16xi32>
        %select_n3A_837 = arith.select %eq3A_831, %add3A_834, %broadcast_in_dim3A_836 : vector<16xi1>, vector<16xi32>
        %min3A_838 = arith.minsi %min3A_829, %select_n3A_837 : vector<16xi32>
        %eq3A_839 = vector.broadcast %reduce_min3A_746 : f32 to vector<16xf32>
        %eq3A_840 = arith.cmpf oeq, %select_n3A_673, %eq3A_839 : vector<16xf32>
        %add3A_841 = arith.constant 160 : i32
        %add3A_842 = vector.broadcast %add3A_841 : i32 to vector<16xi32>
        %add3A_843 = arith.addi %iota3A, %add3A_842 : vector<16xi32>
        %jit3A_844 = arith.constant 1024 : i32
        %broadcast_in_dim3A_845 = vector.broadcast %jit3A_844 : i32 to vector<16xi32>
        %select_n3A_846 = arith.select %eq3A_840, %add3A_843, %broadcast_in_dim3A_845 : vector<16xi1>, vector<16xi32>
        %min3A_847 = arith.minsi %min3A_838, %select_n3A_846 : vector<16xi32>
        %eq3A_848 = vector.broadcast %reduce_min3A_746 : f32 to vector<16xf32>
        %eq3A_849 = arith.cmpf oeq, %select_n3A_684, %eq3A_848 : vector<16xf32>
        %add3A_850 = arith.constant 176 : i32
        %add3A_851 = vector.broadcast %add3A_850 : i32 to vector<16xi32>
        %add3A_852 = arith.addi %iota3A, %add3A_851 : vector<16xi32>
        %jit3A_853 = arith.constant 1024 : i32
        %broadcast_in_dim3A_854 = vector.broadcast %jit3A_853 : i32 to vector<16xi32>
        %select_n3A_855 = arith.select %eq3A_849, %add3A_852, %broadcast_in_dim3A_854 : vector<16xi1>, vector<16xi32>
        %min3A_856 = arith.minsi %min3A_847, %select_n3A_855 : vector<16xi32>
        %eq3A_857 = vector.broadcast %reduce_min3A_746 : f32 to vector<16xf32>
        %eq3A_858 = arith.cmpf oeq, %select_n3A_695, %eq3A_857 : vector<16xf32>
        %add3A_859 = arith.constant 192 : i32
        %add3A_860 = vector.broadcast %add3A_859 : i32 to vector<16xi32>
        %add3A_861 = arith.addi %iota3A, %add3A_860 : vector<16xi32>
        %jit3A_862 = arith.constant 1024 : i32
        %broadcast_in_dim3A_863 = vector.broadcast %jit3A_862 : i32 to vector<16xi32>
        %select_n3A_864 = arith.select %eq3A_858, %add3A_861, %broadcast_in_dim3A_863 : vector<16xi1>, vector<16xi32>
        %min3A_865 = arith.minsi %min3A_856, %select_n3A_864 : vector<16xi32>
        %eq3A_866 = vector.broadcast %reduce_min3A_746 : f32 to vector<16xf32>
        %eq3A_867 = arith.cmpf oeq, %select_n3A_706, %eq3A_866 : vector<16xf32>
        %add3A_868 = arith.constant 208 : i32
        %add3A_869 = vector.broadcast %add3A_868 : i32 to vector<16xi32>
        %add3A_870 = arith.addi %iota3A, %add3A_869 : vector<16xi32>
        %jit3A_871 = arith.constant 1024 : i32
        %broadcast_in_dim3A_872 = vector.broadcast %jit3A_871 : i32 to vector<16xi32>
        %select_n3A_873 = arith.select %eq3A_867, %add3A_870, %broadcast_in_dim3A_872 : vector<16xi1>, vector<16xi32>
        %min3A_874 = arith.minsi %min3A_865, %select_n3A_873 : vector<16xi32>
        %eq3A_875 = vector.broadcast %reduce_min3A_746 : f32 to vector<16xf32>
        %eq3A_876 = arith.cmpf oeq, %select_n3A_717, %eq3A_875 : vector<16xf32>
        %add3A_877 = arith.constant 224 : i32
        %add3A_878 = vector.broadcast %add3A_877 : i32 to vector<16xi32>
        %add3A_879 = arith.addi %iota3A, %add3A_878 : vector<16xi32>
        %jit3A_880 = arith.constant 1024 : i32
        %broadcast_in_dim3A_881 = vector.broadcast %jit3A_880 : i32 to vector<16xi32>
        %select_n3A_882 = arith.select %eq3A_876, %add3A_879, %broadcast_in_dim3A_881 : vector<16xi1>, vector<16xi32>
        %min3A_883 = arith.minsi %min3A_874, %select_n3A_882 : vector<16xi32>
        %eq3A_884 = vector.broadcast %reduce_min3A_746 : f32 to vector<16xf32>
        %eq3A_885 = arith.cmpf oeq, %select_n3A_728, %eq3A_884 : vector<16xf32>
        %add3A_886 = arith.constant 240 : i32
        %add3A_887 = vector.broadcast %add3A_886 : i32 to vector<16xi32>
        %add3A_888 = arith.addi %iota3A, %add3A_887 : vector<16xi32>
        %jit3A_889 = arith.constant 1024 : i32
        %broadcast_in_dim3A_890 = vector.broadcast %jit3A_889 : i32 to vector<16xi32>
        %select_n3A_891 = arith.select %eq3A_885, %add3A_888, %broadcast_in_dim3A_890 : vector<16xi1>, vector<16xi32>
        %min3A_892 = arith.minsi %min3A_883, %select_n3A_891 : vector<16xi32>
        %reduce_min3A_893 = arith.constant true
        %reduce_min3A_894 = vector.broadcast %reduce_min3A_893 : i1 to vector<16xi1>
        %reduce_min3A_895 = arith.constant -2147483648 : i32
        %reduce_min3A_896 = vector.broadcast %reduce_min3A_895 : i32 to vector<16xi32>
        %reduce_min3A_897 = arith.xori %min3A_892, %reduce_min3A_896 : vector<16xi32>
        %reduce_min3A_898 = tpu.scan <min>, %reduce_min3A_897 masked %reduce_min3A_894 : vector<16xi32>, vector<16xi1> -> vector<16xi32>
        %reduce_min3A_899 = arith.xori %reduce_min3A_898, %reduce_min3A_896 : vector<16xi32>
        %reduce_min3A_900 = vector.extract %reduce_min3A_899[15] : i32 from vector<16xi32>
        %broadcast_in_dim3A_901 = vector.broadcast %reduce_min3A_900 : i32 to vector<16xi32>
        %broadcast_in_dim3A_902 = arith.constant 1.000000e+00 : f32
        %broadcast_in_dim3A_903 = vector.broadcast %broadcast_in_dim3A_902 : f32 to vector<16xf32>
        tpu.vector_store_idx %arg18[%broadcast_in_dim3A_901], %broadcast_in_dim3A_903 masked %eq3A_4 : memref<256xf32, #tpu.memory_space<vmem>>[vector<16xi32>], vector<16xf32>, vector<16xi1>
        %broadcast_in_dim3A_904 = vector.broadcast %scan3A_552 : i32 to vector<16xi32>
        %broadcast_in_dim3A_905 = vector.broadcast %reduce_min3A_900 : i32 to vector<16xi32>
        tpu.vector_store_idx %arg19[%broadcast_in_dim3A_904], %broadcast_in_dim3A_905 masked %eq3A_4 : memref<32xi32, #tpu.memory_space<vmem>>[vector<16xi32>], vector<16xi32>, vector<16xi1>
        %scan3A_906 = arith.constant 0 : i32
        scf.yield %scan3A_906 : i32
      }
      %scan3A_32 = arith.constant 32 : i32
      %add3A_33 = arith.constant 0 : i32
      %add3A_34 = vector.broadcast %add3A_33 : i32 to vector<16xi32>
      %add3A_35 = arith.addi %iota3A, %add3A_34 : vector<16xi32>
      %get3A = arith.constant 0 : index
      %get3A_36 = tpu.vector_load %arg19[%get3A] {strides = array<i32>} : memref<32xi32, #tpu.memory_space<vmem>>, vector<16xi32>,
      %gather3A = tpu.vector_load_idx %arg16[%add3A_35, %get3A_36] : memref<32x256xf32, #tpu.memory_space<vmem>>[vector<16xi32>, vector<16xi32>], vector<16xf32>,
      %reduce_sum3A = arith.constant true
      %reduce_sum3A_37 = vector.broadcast %reduce_sum3A : i1 to vector<16xi1>
      %reduce_sum3A_38 = tpu.scan <sum>, %gather3A masked %reduce_sum3A_37 : vector<16xf32>, vector<16xi1> -> vector<16xf32>
      %reduce_sum3A_39 = vector.extract %reduce_sum3A_38[15] : f32 from vector<16xf32>
      %add3A_40 = arith.constant 0.000000e+00 : f32
      %add3A_41 = arith.addf %add3A_40, %reduce_sum3A_39 : f32
      %gather3A_42 = tpu.vector_load_idx %arg17[%add3A_35, %get3A_36] : memref<32x256xf32, #tpu.memory_space<vmem>>[vector<16xi32>, vector<16xi32>], vector<16xf32>,
      %reduce_sum3A_43 = arith.constant true
      %reduce_sum3A_44 = vector.broadcast %reduce_sum3A_43 : i1 to vector<16xi1>
      %reduce_sum3A_45 = tpu.scan <sum>, %gather3A_42 masked %reduce_sum3A_44 : vector<16xf32>, vector<16xi1> -> vector<16xf32>
      %reduce_sum3A_46 = vector.extract %reduce_sum3A_45[15] : f32 from vector<16xf32>
      %add3A_47 = arith.constant 0.000000e+00 : f32
      %add3A_48 = arith.addf %add3A_47, %reduce_sum3A_46 : f32
      %broadcast_in_dim3A_49 = arith.constant 1.000000e+00 : f32
      %broadcast_in_dim3A_50 = vector.broadcast %broadcast_in_dim3A_49 : f32 to vector<16xf32>
      %broadcast_in_dim3A_51 = arith.constant 1.000000e+00 : f32
      %broadcast_in_dim3A_52 = vector.broadcast %broadcast_in_dim3A_51 : f32 to vector<16xf32>
      %broadcast_in_dim3A_53 = arith.constant 1.000000e+00 : f32
      %broadcast_in_dim3A_54 = vector.broadcast %broadcast_in_dim3A_53 : f32 to vector<16xf32>
      %broadcast_in_dim3A_55 = arith.constant 1.000000e+00 : f32
      %broadcast_in_dim3A_56 = vector.broadcast %broadcast_in_dim3A_55 : f32 to vector<16xf32>
      %broadcast_in_dim3A_57 = arith.constant 0 : i32
      %broadcast_in_dim3A_58 = vector.broadcast %broadcast_in_dim3A_57 : i32 to vector<16xi32>
      %gather3A_59 = tpu.vector_load_idx %arg20[%broadcast_in_dim3A_58, %get3A_36] : memref<6x256xf32, #tpu.memory_space<vmem>>[vector<16xi32>, vector<16xi32>], vector<16xf32>,
      %broadcast_in_dim3A_60 = arith.constant 3 : i32
      %broadcast_in_dim3A_61 = vector.broadcast %broadcast_in_dim3A_60 : i32 to vector<16xi32>
      %gather3A_62 = tpu.vector_load_idx %arg20[%broadcast_in_dim3A_61, %get3A_36] : memref<6x256xf32, #tpu.memory_space<vmem>>[vector<16xi32>, vector<16xi32>], vector<16xf32>,
      %get3A_63 = arith.constant 0 : i32
      %get3A_64 = arith.index_cast %get3A_63 : i32 to index
      %get3A_65 = arith.constant 0 : index
      %get3A_66 = tpu.vector_load %arg14[%get3A_64, %get3A_65] {strides = array<i32>} : memref<24x32xf32, #tpu.memory_space<vmem>>, vector<16xf32>,
      %get3A_67 = arith.constant 0 : i32
      %get3A_68 = arith.index_cast %get3A_67 : i32 to index
      %get3A_69 = arith.constant 0 : index
      %get3A_70 = tpu.vector_load %arg14[%get3A_68, %get3A_69] {strides = array<i32>} : memref<24x32xf32, #tpu.memory_space<vmem>>, vector<16xf32>,
      %get3A_71 = arith.constant 3 : i32
      %get3A_72 = arith.index_cast %get3A_71 : i32 to index
      %get3A_73 = arith.constant 0 : index
      %get3A_74 = tpu.vector_load %arg14[%get3A_72, %get3A_73] {strides = array<i32>} : memref<24x32xf32, #tpu.memory_space<vmem>>, vector<16xf32>,
      %min3A = arith.minimumf %get3A_66, %get3A_74 : vector<16xf32>
      %max3A = arith.maximumf %get3A_70, %get3A_74 : vector<16xf32>
      %get3A_75 = arith.constant 6 : i32
      %get3A_76 = arith.index_cast %get3A_75 : i32 to index
      %get3A_77 = arith.constant 0 : index
      %get3A_78 = tpu.vector_load %arg14[%get3A_76, %get3A_77] {strides = array<i32>} : memref<24x32xf32, #tpu.memory_space<vmem>>, vector<16xf32>,
      %min3A_79 = arith.minimumf %min3A, %get3A_78 : vector<16xf32>
      %max3A_80 = arith.maximumf %max3A, %get3A_78 : vector<16xf32>
      %get3A_81 = arith.constant 9 : i32
      %get3A_82 = arith.index_cast %get3A_81 : i32 to index
      %get3A_83 = arith.constant 0 : index
      %get3A_84 = tpu.vector_load %arg14[%get3A_82, %get3A_83] {strides = array<i32>} : memref<24x32xf32, #tpu.memory_space<vmem>>, vector<16xf32>,
      %min3A_85 = arith.minimumf %min3A_79, %get3A_84 : vector<16xf32>
      %max3A_86 = arith.maximumf %max3A_80, %get3A_84 : vector<16xf32>
      %get3A_87 = arith.constant 12 : i32
      %get3A_88 = arith.index_cast %get3A_87 : i32 to index
      %get3A_89 = arith.constant 0 : index
      %get3A_90 = tpu.vector_load %arg14[%get3A_88, %get3A_89] {strides = array<i32>} : memref<24x32xf32, #tpu.memory_space<vmem>>, vector<16xf32>,
      %min3A_91 = arith.minimumf %min3A_85, %get3A_90 : vector<16xf32>
      %max3A_92 = arith.maximumf %max3A_86, %get3A_90 : vector<16xf32>
      %get3A_93 = arith.constant 15 : i32
      %get3A_94 = arith.index_cast %get3A_93 : i32 to index
      %get3A_95 = arith.constant 0 : index
      %get3A_96 = tpu.vector_load %arg14[%get3A_94, %get3A_95] {strides = array<i32>} : memref<24x32xf32, #tpu.memory_space<vmem>>, vector<16xf32>,
      %min3A_97 = arith.minimumf %min3A_91, %get3A_96 : vector<16xf32>
      %max3A_98 = arith.maximumf %max3A_92, %get3A_96 : vector<16xf32>
      %get3A_99 = arith.constant 18 : i32
      %get3A_100 = arith.index_cast %get3A_99 : i32 to index
      %get3A_101 = arith.constant 0 : index
      %get3A_102 = tpu.vector_load %arg14[%get3A_100, %get3A_101] {strides = array<i32>} : memref<24x32xf32, #tpu.memory_space<vmem>>, vector<16xf32>,
      %min3A_103 = arith.minimumf %min3A_97, %get3A_102 : vector<16xf32>
      %max3A_104 = arith.maximumf %max3A_98, %get3A_102 : vector<16xf32>
      %get3A_105 = arith.constant 21 : i32
      %get3A_106 = arith.index_cast %get3A_105 : i32 to index
      %get3A_107 = arith.constant 0 : index
      %get3A_108 = tpu.vector_load %arg14[%get3A_106, %get3A_107] {strides = array<i32>} : memref<24x32xf32, #tpu.memory_space<vmem>>, vector<16xf32>,
      %min3A_109 = arith.minimumf %min3A_103, %get3A_108 : vector<16xf32>
      %max3A_110 = arith.maximumf %max3A_104, %get3A_108 : vector<16xf32>
      %min3A_111 = arith.minimumf %gather3A_62, %max3A_110 : vector<16xf32>
      %max3A_112 = arith.maximumf %gather3A_59, %min3A_109 : vector<16xf32>
      %sub3A = arith.subf %min3A_111, %max3A_112 : vector<16xf32>
      %max3A_113 = arith.constant 0.000000e+00 : f32
      %max3A_114 = vector.broadcast %max3A_113 : f32 to vector<16xf32>
      %max3A_115 = arith.maximumf %sub3A, %max3A_114 : vector<16xf32>
      %mul3A_116 = arith.mulf %broadcast_in_dim3A_50, %max3A_115 : vector<16xf32>
      %sub3A_117 = arith.subf %gather3A_62, %gather3A_59 : vector<16xf32>
      %mul3A_118 = arith.mulf %broadcast_in_dim3A_52, %sub3A_117 : vector<16xf32>
      %sub3A_119 = arith.subf %max3A_110, %min3A_109 : vector<16xf32>
      %mul3A_120 = arith.mulf %broadcast_in_dim3A_54, %sub3A_119 : vector<16xf32>
      %max3A_121 = arith.maximumf %gather3A_62, %max3A_110 : vector<16xf32>
      %min3A_122 = arith.minimumf %gather3A_59, %min3A_109 : vector<16xf32>
      %sub3A_123 = arith.subf %max3A_121, %min3A_122 : vector<16xf32>
      %mul3A_124 = arith.mulf %broadcast_in_dim3A_56, %sub3A_123 : vector<16xf32>
      %broadcast_in_dim3A_125 = arith.constant 1 : i32
      %broadcast_in_dim3A_126 = vector.broadcast %broadcast_in_dim3A_125 : i32 to vector<16xi32>
      %gather3A_127 = tpu.vector_load_idx %arg20[%broadcast_in_dim3A_126, %get3A_36] : memref<6x256xf32, #tpu.memory_space<vmem>>[vector<16xi32>, vector<16xi32>], vector<16xf32>,
      %broadcast_in_dim3A_128 = arith.constant 4 : i32
      %broadcast_in_dim3A_129 = vector.broadcast %broadcast_in_dim3A_128 : i32 to vector<16xi32>
      %gather3A_130 = tpu.vector_load_idx %arg20[%broadcast_in_dim3A_129, %get3A_36] : memref<6x256xf32, #tpu.memory_space<vmem>>[vector<16xi32>, vector<16xi32>], vector<16xf32>,
      %get3A_131 = arith.constant 1 : i32
      %get3A_132 = arith.index_cast %get3A_131 : i32 to index
      %get3A_133 = arith.constant 0 : index
      %get3A_134 = tpu.vector_load %arg14[%get3A_132, %get3A_133] {strides = array<i32>} : memref<24x32xf32, #tpu.memory_space<vmem>>, vector<16xf32>,
      %get3A_135 = arith.constant 1 : i32
      %get3A_136 = arith.index_cast %get3A_135 : i32 to index
      %get3A_137 = arith.constant 0 : index
      %get3A_138 = tpu.vector_load %arg14[%get3A_136, %get3A_137] {strides = array<i32>} : memref<24x32xf32, #tpu.memory_space<vmem>>, vector<16xf32>,
      %get3A_139 = arith.constant 4 : i32
      %get3A_140 = arith.index_cast %get3A_139 : i32 to index
      %get3A_141 = arith.constant 0 : index
      %get3A_142 = tpu.vector_load %arg14[%get3A_140, %get3A_141] {strides = array<i32>} : memref<24x32xf32, #tpu.memory_space<vmem>>, vector<16xf32>,
      %min3A_143 = arith.minimumf %get3A_134, %get3A_142 : vector<16xf32>
      %max3A_144 = arith.maximumf %get3A_138, %get3A_142 : vector<16xf32>
      %get3A_145 = arith.constant 7 : i32
      %get3A_146 = arith.index_cast %get3A_145 : i32 to index
      %get3A_147 = arith.constant 0 : index
      %get3A_148 = tpu.vector_load %arg14[%get3A_146, %get3A_147] {strides = array<i32>} : memref<24x32xf32, #tpu.memory_space<vmem>>, vector<16xf32>,
      %min3A_149 = arith.minimumf %min3A_143, %get3A_148 : vector<16xf32>
      %max3A_150 = arith.maximumf %max3A_144, %get3A_148 : vector<16xf32>
      %get3A_151 = arith.constant 10 : i32
      %get3A_152 = arith.index_cast %get3A_151 : i32 to index
      %get3A_153 = arith.constant 0 : index
      %get3A_154 = tpu.vector_load %arg14[%get3A_152, %get3A_153] {strides = array<i32>} : memref<24x32xf32, #tpu.memory_space<vmem>>, vector<16xf32>,
      %min3A_155 = arith.minimumf %min3A_149, %get3A_154 : vector<16xf32>
      %max3A_156 = arith.maximumf %max3A_150, %get3A_154 : vector<16xf32>
      %get3A_157 = arith.constant 13 : i32
      %get3A_158 = arith.index_cast %get3A_157 : i32 to index
      %get3A_159 = arith.constant 0 : index
      %get3A_160 = tpu.vector_load %arg14[%get3A_158, %get3A_159] {strides = array<i32>} : memref<24x32xf32, #tpu.memory_space<vmem>>, vector<16xf32>,
      %min3A_161 = arith.minimumf %min3A_155, %get3A_160 : vector<16xf32>
      %max3A_162 = arith.maximumf %max3A_156, %get3A_160 : vector<16xf32>
      %get3A_163 = arith.constant 16 : i32
      %get3A_164 = arith.index_cast %get3A_163 : i32 to index
      %get3A_165 = arith.constant 0 : index
      %get3A_166 = tpu.vector_load %arg14[%get3A_164, %get3A_165] {strides = array<i32>} : memref<24x32xf32, #tpu.memory_space<vmem>>, vector<16xf32>,
      %min3A_167 = arith.minimumf %min3A_161, %get3A_166 : vector<16xf32>
      %max3A_168 = arith.maximumf %max3A_162, %get3A_166 : vector<16xf32>
      %get3A_169 = arith.constant 19 : i32
      %get3A_170 = arith.index_cast %get3A_169 : i32 to index
      %get3A_171 = arith.constant 0 : index
      %get3A_172 = tpu.vector_load %arg14[%get3A_170, %get3A_171] {strides = array<i32>} : memref<24x32xf32, #tpu.memory_space<vmem>>, vector<16xf32>,
      %min3A_173 = arith.minimumf %min3A_167, %get3A_172 : vector<16xf32>
      %max3A_174 = arith.maximumf %max3A_168, %get3A_172 : vector<16xf32>
      %get3A_175 = arith.constant 22 : i32
      %get3A_176 = arith.index_cast %get3A_175 : i32 to index
      %get3A_177 = arith.constant 0 : index
      %get3A_178 = tpu.vector_load %arg14[%get3A_176, %get3A_177] {strides = array<i32>} : memref<24x32xf32, #tpu.memory_space<vmem>>, vector<16xf32>,
      %min3A_179 = arith.minimumf %min3A_173, %get3A_178 : vector<16xf32>
      %max3A_180 = arith.maximumf %max3A_174, %get3A_178 : vector<16xf32>
      %min3A_181 = arith.minimumf %gather3A_130, %max3A_180 : vector<16xf32>
      %max3A_182 = arith.maximumf %gather3A_127, %min3A_179 : vector<16xf32>
      %sub3A_183 = arith.subf %min3A_181, %max3A_182 : vector<16xf32>
      %max3A_184 = arith.constant 0.000000e+00 : f32
      %max3A_185 = vector.broadcast %max3A_184 : f32 to vector<16xf32>
      %max3A_186 = arith.maximumf %sub3A_183, %max3A_185 : vector<16xf32>
      %mul3A_187 = arith.mulf %mul3A_116, %max3A_186 : vector<16xf32>
      %sub3A_188 = arith.subf %gather3A_130, %gather3A_127 : vector<16xf32>
      %mul3A_189 = arith.mulf %mul3A_118, %sub3A_188 : vector<16xf32>
      %sub3A_190 = arith.subf %max3A_180, %min3A_179 : vector<16xf32>
      %mul3A_191 = arith.mulf %mul3A_120, %sub3A_190 : vector<16xf32>
      %max3A_192 = arith.maximumf %gather3A_130, %max3A_180 : vector<16xf32>
      %min3A_193 = arith.minimumf %gather3A_127, %min3A_179 : vector<16xf32>
      %sub3A_194 = arith.subf %max3A_192, %min3A_193 : vector<16xf32>
      %mul3A_195 = arith.mulf %mul3A_124, %sub3A_194 : vector<16xf32>
      %broadcast_in_dim3A_196 = arith.constant 2 : i32
      %broadcast_in_dim3A_197 = vector.broadcast %broadcast_in_dim3A_196 : i32 to vector<16xi32>
      %gather3A_198 = tpu.vector_load_idx %arg20[%broadcast_in_dim3A_197, %get3A_36] : memref<6x256xf32, #tpu.memory_space<vmem>>[vector<16xi32>, vector<16xi32>], vector<16xf32>,
      %broadcast_in_dim3A_199 = arith.constant 5 : i32
      %broadcast_in_dim3A_200 = vector.broadcast %broadcast_in_dim3A_199 : i32 to vector<16xi32>
      %gather3A_201 = tpu.vector_load_idx %arg20[%broadcast_in_dim3A_200, %get3A_36] : memref<6x256xf32, #tpu.memory_space<vmem>>[vector<16xi32>, vector<16xi32>], vector<16xf32>,
      %get3A_202 = arith.constant 2 : i32
      %get3A_203 = arith.index_cast %get3A_202 : i32 to index
      %get3A_204 = arith.constant 0 : index
      %get3A_205 = tpu.vector_load %arg14[%get3A_203, %get3A_204] {strides = array<i32>} : memref<24x32xf32, #tpu.memory_space<vmem>>, vector<16xf32>,
      %get3A_206 = arith.constant 2 : i32
      %get3A_207 = arith.index_cast %get3A_206 : i32 to index
      %get3A_208 = arith.constant 0 : index
      %get3A_209 = tpu.vector_load %arg14[%get3A_207, %get3A_208] {strides = array<i32>} : memref<24x32xf32, #tpu.memory_space<vmem>>, vector<16xf32>,
      %get3A_210 = arith.constant 5 : i32
      %get3A_211 = arith.index_cast %get3A_210 : i32 to index
      %get3A_212 = arith.constant 0 : index
      %get3A_213 = tpu.vector_load %arg14[%get3A_211, %get3A_212] {strides = array<i32>} : memref<24x32xf32, #tpu.memory_space<vmem>>, vector<16xf32>,
      %min3A_214 = arith.minimumf %get3A_205, %get3A_213 : vector<16xf32>
      %max3A_215 = arith.maximumf %get3A_209, %get3A_213 : vector<16xf32>
      %get3A_216 = arith.constant 8 : i32
      %get3A_217 = arith.index_cast %get3A_216 : i32 to index
      %get3A_218 = arith.constant 0 : index
      %get3A_219 = tpu.vector_load %arg14[%get3A_217, %get3A_218] {strides = array<i32>} : memref<24x32xf32, #tpu.memory_space<vmem>>, vector<16xf32>,
      %min3A_220 = arith.minimumf %min3A_214, %get3A_219 : vector<16xf32>
      %max3A_221 = arith.maximumf %max3A_215, %get3A_219 : vector<16xf32>
      %get3A_222 = arith.constant 11 : i32
      %get3A_223 = arith.index_cast %get3A_222 : i32 to index
      %get3A_224 = arith.constant 0 : index
      %get3A_225 = tpu.vector_load %arg14[%get3A_223, %get3A_224] {strides = array<i32>} : memref<24x32xf32, #tpu.memory_space<vmem>>, vector<16xf32>,
      %min3A_226 = arith.minimumf %min3A_220, %get3A_225 : vector<16xf32>
      %max3A_227 = arith.maximumf %max3A_221, %get3A_225 : vector<16xf32>
      %get3A_228 = arith.constant 14 : i32
      %get3A_229 = arith.index_cast %get3A_228 : i32 to index
      %get3A_230 = arith.constant 0 : index
      %get3A_231 = tpu.vector_load %arg14[%get3A_229, %get3A_230] {strides = array<i32>} : memref<24x32xf32, #tpu.memory_space<vmem>>, vector<16xf32>,
      %min3A_232 = arith.minimumf %min3A_226, %get3A_231 : vector<16xf32>
      %max3A_233 = arith.maximumf %max3A_227, %get3A_231 : vector<16xf32>
      %get3A_234 = arith.constant 17 : i32
      %get3A_235 = arith.index_cast %get3A_234 : i32 to index
      %get3A_236 = arith.constant 0 : index
      %get3A_237 = tpu.vector_load %arg14[%get3A_235, %get3A_236] {strides = array<i32>} : memref<24x32xf32, #tpu.memory_space<vmem>>, vector<16xf32>,
      %min3A_238 = arith.minimumf %min3A_232, %get3A_237 : vector<16xf32>
      %max3A_239 = arith.maximumf %max3A_233, %get3A_237 : vector<16xf32>
      %get3A_240 = arith.constant 20 : i32
      %get3A_241 = arith.index_cast %get3A_240 : i32 to index
      %get3A_242 = arith.constant 0 : index
      %get3A_243 = tpu.vector_load %arg14[%get3A_241, %get3A_242] {strides = array<i32>} : memref<24x32xf32, #tpu.memory_space<vmem>>, vector<16xf32>,
      %min3A_244 = arith.minimumf %min3A_238, %get3A_243 : vector<16xf32>
      %max3A_245 = arith.maximumf %max3A_239, %get3A_243 : vector<16xf32>
      %get3A_246 = arith.constant 23 : i32
      %get3A_247 = arith.index_cast %get3A_246 : i32 to index
      %get3A_248 = arith.constant 0 : index
      %get3A_249 = tpu.vector_load %arg14[%get3A_247, %get3A_248] {strides = array<i32>} : memref<24x32xf32, #tpu.memory_space<vmem>>, vector<16xf32>,
      %min3A_250 = arith.minimumf %min3A_244, %get3A_249 : vector<16xf32>
      %max3A_251 = arith.maximumf %max3A_245, %get3A_249 : vector<16xf32>
      %min3A_252 = arith.minimumf %gather3A_201, %max3A_251 : vector<16xf32>
      %max3A_253 = arith.maximumf %gather3A_198, %min3A_250 : vector<16xf32>
      %sub3A_254 = arith.subf %min3A_252, %max3A_253 : vector<16xf32>
      %max3A_255 = arith.constant 0.000000e+00 : f32
      %max3A_256 = vector.broadcast %max3A_255 : f32 to vector<16xf32>
      %max3A_257 = arith.maximumf %sub3A_254, %max3A_256 : vector<16xf32>
      %mul3A_258 = arith.mulf %mul3A_187, %max3A_257 : vector<16xf32>
      %sub3A_259 = arith.subf %gather3A_201, %gather3A_198 : vector<16xf32>
      %mul3A_260 = arith.mulf %mul3A_189, %sub3A_259 : vector<16xf32>
      %sub3A_261 = arith.subf %max3A_251, %min3A_250 : vector<16xf32>
      %mul3A_262 = arith.mulf %mul3A_191, %sub3A_261 : vector<16xf32>
      %max3A_263 = arith.maximumf %gather3A_201, %max3A_251 : vector<16xf32>
      %min3A_264 = arith.minimumf %gather3A_198, %min3A_250 : vector<16xf32>
      %sub3A_265 = arith.subf %max3A_263, %min3A_264 : vector<16xf32>
      %mul3A_266 = arith.mulf %mul3A_195, %sub3A_265 : vector<16xf32>
      %add3A_267 = arith.addf %mul3A_260, %mul3A_262 : vector<16xf32>
      %sub3A_268 = arith.subf %add3A_267, %mul3A_258 : vector<16xf32>
      %add3A_269 = arith.constant 1.000000e-07 : f32
      %add3A_270 = vector.broadcast %add3A_269 : f32 to vector<16xf32>
      %add3A_271 = arith.addf %sub3A_268, %add3A_270 : vector<16xf32>
      %div3A = arith.divf %mul3A_258, %add3A_271 : vector<16xf32>
      %sub3A_272 = arith.subf %mul3A_266, %sub3A_268 : vector<16xf32>
      %add3A_273 = arith.constant 1.000000e-07 : f32
      %add3A_274 = vector.broadcast %add3A_273 : f32 to vector<16xf32>
      %add3A_275 = arith.addf %mul3A_266, %add3A_274 : vector<16xf32>
      %div3A_276 = arith.divf %sub3A_272, %add3A_275 : vector<16xf32>
      %sub3A_277 = arith.subf %div3A, %div3A_276 : vector<16xf32>
      %reduce_sum3A_278 = arith.constant true
      %reduce_sum3A_279 = vector.broadcast %reduce_sum3A_278 : i1 to vector<16xi1>
      %reduce_sum3A_280 = tpu.scan <sum>, %sub3A_277 masked %reduce_sum3A_279 : vector<16xf32>, vector<16xi1> -> vector<16xf32>
      %reduce_sum3A_281 = vector.extract %reduce_sum3A_280[15] : f32 from vector<16xf32>
      %add3A_282 = arith.constant 0.000000e+00 : f32
      %add3A_283 = arith.addf %add3A_282, %reduce_sum3A_281 : f32
      %add3A_284 = arith.constant 16 : i32
      %add3A_285 = vector.broadcast %add3A_284 : i32 to vector<16xi32>
      %add3A_286 = arith.addi %iota3A, %add3A_285 : vector<16xi32>
      %get3A_287 = arith.constant 16 : index
      %get3A_288 = tpu.vector_load %arg19[%get3A_287] {strides = array<i32>} : memref<32xi32, #tpu.memory_space<vmem>>, vector<16xi32>,
      %gather3A_289 = tpu.vector_load_idx %arg16[%add3A_286, %get3A_288] : memref<32x256xf32, #tpu.memory_space<vmem>>[vector<16xi32>, vector<16xi32>], vector<16xf32>,
      %reduce_sum3A_290 = arith.constant true
      %reduce_sum3A_291 = vector.broadcast %reduce_sum3A_290 : i1 to vector<16xi1>
      %reduce_sum3A_292 = tpu.scan <sum>, %gather3A_289 masked %reduce_sum3A_291 : vector<16xf32>, vector<16xi1> -> vector<16xf32>
      %reduce_sum3A_293 = vector.extract %reduce_sum3A_292[15] : f32 from vector<16xf32>
      %add3A_294 = arith.addf %add3A_41, %reduce_sum3A_293 : f32
      %gather3A_295 = tpu.vector_load_idx %arg17[%add3A_286, %get3A_288] : memref<32x256xf32, #tpu.memory_space<vmem>>[vector<16xi32>, vector<16xi32>], vector<16xf32>,
      %reduce_sum3A_296 = arith.constant true
      %reduce_sum3A_297 = vector.broadcast %reduce_sum3A_296 : i1 to vector<16xi1>
      %reduce_sum3A_298 = tpu.scan <sum>, %gather3A_295 masked %reduce_sum3A_297 : vector<16xf32>, vector<16xi1> -> vector<16xf32>
      %reduce_sum3A_299 = vector.extract %reduce_sum3A_298[15] : f32 from vector<16xf32>
      %add3A_300 = arith.addf %add3A_48, %reduce_sum3A_299 : f32
      %broadcast_in_dim3A_301 = arith.constant 1.000000e+00 : f32
      %broadcast_in_dim3A_302 = vector.broadcast %broadcast_in_dim3A_301 : f32 to vector<16xf32>
      %broadcast_in_dim3A_303 = arith.constant 1.000000e+00 : f32
      %broadcast_in_dim3A_304 = vector.broadcast %broadcast_in_dim3A_303 : f32 to vector<16xf32>
      %broadcast_in_dim3A_305 = arith.constant 1.000000e+00 : f32
      %broadcast_in_dim3A_306 = vector.broadcast %broadcast_in_dim3A_305 : f32 to vector<16xf32>
      %broadcast_in_dim3A_307 = arith.constant 1.000000e+00 : f32
      %broadcast_in_dim3A_308 = vector.broadcast %broadcast_in_dim3A_307 : f32 to vector<16xf32>
      %broadcast_in_dim3A_309 = arith.constant 0 : i32
      %broadcast_in_dim3A_310 = vector.broadcast %broadcast_in_dim3A_309 : i32 to vector<16xi32>
      %gather3A_311 = tpu.vector_load_idx %arg20[%broadcast_in_dim3A_310, %get3A_288] : memref<6x256xf32, #tpu.memory_space<vmem>>[vector<16xi32>, vector<16xi32>], vector<16xf32>,
      %broadcast_in_dim3A_312 = arith.constant 3 : i32
      %broadcast_in_dim3A_313 = vector.broadcast %broadcast_in_dim3A_312 : i32 to vector<16xi32>
      %gather3A_314 = tpu.vector_load_idx %arg20[%broadcast_in_dim3A_313, %get3A_288] : memref<6x256xf32, #tpu.memory_space<vmem>>[vector<16xi32>, vector<16xi32>], vector<16xf32>,
      %get3A_315 = arith.constant 0 : i32
      %get3A_316 = arith.index_cast %get3A_315 : i32 to index
      %get3A_317 = arith.constant 16 : index
      %get3A_318 = tpu.vector_load %arg14[%get3A_316, %get3A_317] {strides = array<i32>} : memref<24x32xf32, #tpu.memory_space<vmem>>, vector<16xf32>,
      %get3A_319 = arith.constant 0 : i32
      %get3A_320 = arith.index_cast %get3A_319 : i32 to index
      %get3A_321 = arith.constant 16 : index
      %get3A_322 = tpu.vector_load %arg14[%get3A_320, %get3A_321] {strides = array<i32>} : memref<24x32xf32, #tpu.memory_space<vmem>>, vector<16xf32>,
      %get3A_323 = arith.constant 3 : i32
      %get3A_324 = arith.index_cast %get3A_323 : i32 to index
      %get3A_325 = arith.constant 16 : index
      %get3A_326 = tpu.vector_load %arg14[%get3A_324, %get3A_325] {strides = array<i32>} : memref<24x32xf32, #tpu.memory_space<vmem>>, vector<16xf32>,
      %min3A_327 = arith.minimumf %get3A_318, %get3A_326 : vector<16xf32>
      %max3A_328 = arith.maximumf %get3A_322, %get3A_326 : vector<16xf32>
      %get3A_329 = arith.constant 6 : i32
      %get3A_330 = arith.index_cast %get3A_329 : i32 to index
      %get3A_331 = arith.constant 16 : index
      %get3A_332 = tpu.vector_load %arg14[%get3A_330, %get3A_331] {strides = array<i32>} : memref<24x32xf32, #tpu.memory_space<vmem>>, vector<16xf32>,
      %min3A_333 = arith.minimumf %min3A_327, %get3A_332 : vector<16xf32>
      %max3A_334 = arith.maximumf %max3A_328, %get3A_332 : vector<16xf32>
      %get3A_335 = arith.constant 9 : i32
      %get3A_336 = arith.index_cast %get3A_335 : i32 to index
      %get3A_337 = arith.constant 16 : index
      %get3A_338 = tpu.vector_load %arg14[%get3A_336, %get3A_337] {strides = array<i32>} : memref<24x32xf32, #tpu.memory_space<vmem>>, vector<16xf32>,
      %min3A_339 = arith.minimumf %min3A_333, %get3A_338 : vector<16xf32>
      %max3A_340 = arith.maximumf %max3A_334, %get3A_338 : vector<16xf32>
      %get3A_341 = arith.constant 12 : i32
      %get3A_342 = arith.index_cast %get3A_341 : i32 to index
      %get3A_343 = arith.constant 16 : index
      %get3A_344 = tpu.vector_load %arg14[%get3A_342, %get3A_343] {strides = array<i32>} : memref<24x32xf32, #tpu.memory_space<vmem>>, vector<16xf32>,
      %min3A_345 = arith.minimumf %min3A_339, %get3A_344 : vector<16xf32>
      %max3A_346 = arith.maximumf %max3A_340, %get3A_344 : vector<16xf32>
      %get3A_347 = arith.constant 15 : i32
      %get3A_348 = arith.index_cast %get3A_347 : i32 to index
      %get3A_349 = arith.constant 16 : index
      %get3A_350 = tpu.vector_load %arg14[%get3A_348, %get3A_349] {strides = array<i32>} : memref<24x32xf32, #tpu.memory_space<vmem>>, vector<16xf32>,
      %min3A_351 = arith.minimumf %min3A_345, %get3A_350 : vector<16xf32>
      %max3A_352 = arith.maximumf %max3A_346, %get3A_350 : vector<16xf32>
      %get3A_353 = arith.constant 18 : i32
      %get3A_354 = arith.index_cast %get3A_353 : i32 to index
      %get3A_355 = arith.constant 16 : index
      %get3A_356 = tpu.vector_load %arg14[%get3A_354, %get3A_355] {strides = array<i32>} : memref<24x32xf32, #tpu.memory_space<vmem>>, vector<16xf32>,
      %min3A_357 = arith.minimumf %min3A_351, %get3A_356 : vector<16xf32>
      %max3A_358 = arith.maximumf %max3A_352, %get3A_356 : vector<16xf32>
      %get3A_359 = arith.constant 21 : i32
      %get3A_360 = arith.index_cast %get3A_359 : i32 to index
      %get3A_361 = arith.constant 16 : index
      %get3A_362 = tpu.vector_load %arg14[%get3A_360, %get3A_361] {strides = array<i32>} : memref<24x32xf32, #tpu.memory_space<vmem>>, vector<16xf32>,
      %min3A_363 = arith.minimumf %min3A_357, %get3A_362 : vector<16xf32>
      %max3A_364 = arith.maximumf %max3A_358, %get3A_362 : vector<16xf32>
      %min3A_365 = arith.minimumf %gather3A_314, %max3A_364 : vector<16xf32>
      %max3A_366 = arith.maximumf %gather3A_311, %min3A_363 : vector<16xf32>
      %sub3A_367 = arith.subf %min3A_365, %max3A_366 : vector<16xf32>
      %max3A_368 = arith.constant 0.000000e+00 : f32
      %max3A_369 = vector.broadcast %max3A_368 : f32 to vector<16xf32>
      %max3A_370 = arith.maximumf %sub3A_367, %max3A_369 : vector<16xf32>
      %mul3A_371 = arith.mulf %broadcast_in_dim3A_302, %max3A_370 : vector<16xf32>
      %sub3A_372 = arith.subf %gather3A_314, %gather3A_311 : vector<16xf32>
      %mul3A_373 = arith.mulf %broadcast_in_dim3A_304, %sub3A_372 : vector<16xf32>
      %sub3A_374 = arith.subf %max3A_364, %min3A_363 : vector<16xf32>
      %mul3A_375 = arith.mulf %broadcast_in_dim3A_306, %sub3A_374 : vector<16xf32>
      %max3A_376 = arith.maximumf %gather3A_314, %max3A_364 : vector<16xf32>
      %min3A_377 = arith.minimumf %gather3A_311, %min3A_363 : vector<16xf32>
      %sub3A_378 = arith.subf %max3A_376, %min3A_377 : vector<16xf32>
      %mul3A_379 = arith.mulf %broadcast_in_dim3A_308, %sub3A_378 : vector<16xf32>
      %broadcast_in_dim3A_380 = arith.constant 1 : i32
      %broadcast_in_dim3A_381 = vector.broadcast %broadcast_in_dim3A_380 : i32 to vector<16xi32>
      %gather3A_382 = tpu.vector_load_idx %arg20[%broadcast_in_dim3A_381, %get3A_288] : memref<6x256xf32, #tpu.memory_space<vmem>>[vector<16xi32>, vector<16xi32>], vector<16xf32>,
      %broadcast_in_dim3A_383 = arith.constant 4 : i32
      %broadcast_in_dim3A_384 = vector.broadcast %broadcast_in_dim3A_383 : i32 to vector<16xi32>
      %gather3A_385 = tpu.vector_load_idx %arg20[%broadcast_in_dim3A_384, %get3A_288] : memref<6x256xf32, #tpu.memory_space<vmem>>[vector<16xi32>, vector<16xi32>], vector<16xf32>,
      %get3A_386 = arith.constant 1 : i32
      %get3A_387 = arith.index_cast %get3A_386 : i32 to index
      %get3A_388 = arith.constant 16 : index
      %get3A_389 = tpu.vector_load %arg14[%get3A_387, %get3A_388] {strides = array<i32>} : memref<24x32xf32, #tpu.memory_space<vmem>>, vector<16xf32>,
      %get3A_390 = arith.constant 1 : i32
      %get3A_391 = arith.index_cast %get3A_390 : i32 to index
      %get3A_392 = arith.constant 16 : index
      %get3A_393 = tpu.vector_load %arg14[%get3A_391, %get3A_392] {strides = array<i32>} : memref<24x32xf32, #tpu.memory_space<vmem>>, vector<16xf32>,
      %get3A_394 = arith.constant 4 : i32
      %get3A_395 = arith.index_cast %get3A_394 : i32 to index
      %get3A_396 = arith.constant 16 : index
      %get3A_397 = tpu.vector_load %arg14[%get3A_395, %get3A_396] {strides = array<i32>} : memref<24x32xf32, #tpu.memory_space<vmem>>, vector<16xf32>,
      %min3A_398 = arith.minimumf %get3A_389, %get3A_397 : vector<16xf32>
      %max3A_399 = arith.maximumf %get3A_393, %get3A_397 : vector<16xf32>
      %get3A_400 = arith.constant 7 : i32
      %get3A_401 = arith.index_cast %get3A_400 : i32 to index
      %get3A_402 = arith.constant 16 : index
      %get3A_403 = tpu.vector_load %arg14[%get3A_401, %get3A_402] {strides = array<i32>} : memref<24x32xf32, #tpu.memory_space<vmem>>, vector<16xf32>,
      %min3A_404 = arith.minimumf %min3A_398, %get3A_403 : vector<16xf32>
      %max3A_405 = arith.maximumf %max3A_399, %get3A_403 : vector<16xf32>
      %get3A_406 = arith.constant 10 : i32
      %get3A_407 = arith.index_cast %get3A_406 : i32 to index
      %get3A_408 = arith.constant 16 : index
      %get3A_409 = tpu.vector_load %arg14[%get3A_407, %get3A_408] {strides = array<i32>} : memref<24x32xf32, #tpu.memory_space<vmem>>, vector<16xf32>,
      %min3A_410 = arith.minimumf %min3A_404, %get3A_409 : vector<16xf32>
      %max3A_411 = arith.maximumf %max3A_405, %get3A_409 : vector<16xf32>
      %get3A_412 = arith.constant 13 : i32
      %get3A_413 = arith.index_cast %get3A_412 : i32 to index
      %get3A_414 = arith.constant 16 : index
      %get3A_415 = tpu.vector_load %arg14[%get3A_413, %get3A_414] {strides = array<i32>} : memref<24x32xf32, #tpu.memory_space<vmem>>, vector<16xf32>,
      %min3A_416 = arith.minimumf %min3A_410, %get3A_415 : vector<16xf32>
      %max3A_417 = arith.maximumf %max3A_411, %get3A_415 : vector<16xf32>
      %get3A_418 = arith.constant 16 : i32
      %get3A_419 = arith.index_cast %get3A_418 : i32 to index
      %get3A_420 = arith.constant 16 : index
      %get3A_421 = tpu.vector_load %arg14[%get3A_419, %get3A_420] {strides = array<i32>} : memref<24x32xf32, #tpu.memory_space<vmem>>, vector<16xf32>,
      %min3A_422 = arith.minimumf %min3A_416, %get3A_421 : vector<16xf32>
      %max3A_423 = arith.maximumf %max3A_417, %get3A_421 : vector<16xf32>
      %get3A_424 = arith.constant 19 : i32
      %get3A_425 = arith.index_cast %get3A_424 : i32 to index
      %get3A_426 = arith.constant 16 : index
      %get3A_427 = tpu.vector_load %arg14[%get3A_425, %get3A_426] {strides = array<i32>} : memref<24x32xf32, #tpu.memory_space<vmem>>, vector<16xf32>,
      %min3A_428 = arith.minimumf %min3A_422, %get3A_427 : vector<16xf32>
      %max3A_429 = arith.maximumf %max3A_423, %get3A_427 : vector<16xf32>
      %get3A_430 = arith.constant 22 : i32
      %get3A_431 = arith.index_cast %get3A_430 : i32 to index
      %get3A_432 = arith.constant 16 : index
      %get3A_433 = tpu.vector_load %arg14[%get3A_431, %get3A_432] {strides = array<i32>} : memref<24x32xf32, #tpu.memory_space<vmem>>, vector<16xf32>,
      %min3A_434 = arith.minimumf %min3A_428, %get3A_433 : vector<16xf32>
      %max3A_435 = arith.maximumf %max3A_429, %get3A_433 : vector<16xf32>
      %min3A_436 = arith.minimumf %gather3A_385, %max3A_435 : vector<16xf32>
      %max3A_437 = arith.maximumf %gather3A_382, %min3A_434 : vector<16xf32>
      %sub3A_438 = arith.subf %min3A_436, %max3A_437 : vector<16xf32>
      %max3A_439 = arith.constant 0.000000e+00 : f32
      %max3A_440 = vector.broadcast %max3A_439 : f32 to vector<16xf32>
      %max3A_441 = arith.maximumf %sub3A_438, %max3A_440 : vector<16xf32>
      %mul3A_442 = arith.mulf %mul3A_371, %max3A_441 : vector<16xf32>
      %sub3A_443 = arith.subf %gather3A_385, %gather3A_382 : vector<16xf32>
      %mul3A_444 = arith.mulf %mul3A_373, %sub3A_443 : vector<16xf32>
      %sub3A_445 = arith.subf %max3A_435, %min3A_434 : vector<16xf32>
      %mul3A_446 = arith.mulf %mul3A_375, %sub3A_445 : vector<16xf32>
      %max3A_447 = arith.maximumf %gather3A_385, %max3A_435 : vector<16xf32>
      %min3A_448 = arith.minimumf %gather3A_382, %min3A_434 : vector<16xf32>
      %sub3A_449 = arith.subf %max3A_447, %min3A_448 : vector<16xf32>
      %mul3A_450 = arith.mulf %mul3A_379, %sub3A_449 : vector<16xf32>
      %broadcast_in_dim3A_451 = arith.constant 2 : i32
      %broadcast_in_dim3A_452 = vector.broadcast %broadcast_in_dim3A_451 : i32 to vector<16xi32>
      %gather3A_453 = tpu.vector_load_idx %arg20[%broadcast_in_dim3A_452, %get3A_288] : memref<6x256xf32, #tpu.memory_space<vmem>>[vector<16xi32>, vector<16xi32>], vector<16xf32>,
      %broadcast_in_dim3A_454 = arith.constant 5 : i32
      %broadcast_in_dim3A_455 = vector.broadcast %broadcast_in_dim3A_454 : i32 to vector<16xi32>
      %gather3A_456 = tpu.vector_load_idx %arg20[%broadcast_in_dim3A_455, %get3A_288] : memref<6x256xf32, #tpu.memory_space<vmem>>[vector<16xi32>, vector<16xi32>], vector<16xf32>,
      %get3A_457 = arith.constant 2 : i32
      %get3A_458 = arith.index_cast %get3A_457 : i32 to index
      %get3A_459 = arith.constant 16 : index
      %get3A_460 = tpu.vector_load %arg14[%get3A_458, %get3A_459] {strides = array<i32>} : memref<24x32xf32, #tpu.memory_space<vmem>>, vector<16xf32>,
      %get3A_461 = arith.constant 2 : i32
      %get3A_462 = arith.index_cast %get3A_461 : i32 to index
      %get3A_463 = arith.constant 16 : index
      %get3A_464 = tpu.vector_load %arg14[%get3A_462, %get3A_463] {strides = array<i32>} : memref<24x32xf32, #tpu.memory_space<vmem>>, vector<16xf32>,
      %get3A_465 = arith.constant 5 : i32
      %get3A_466 = arith.index_cast %get3A_465 : i32 to index
      %get3A_467 = arith.constant 16 : index
      %get3A_468 = tpu.vector_load %arg14[%get3A_466, %get3A_467] {strides = array<i32>} : memref<24x32xf32, #tpu.memory_space<vmem>>, vector<16xf32>,
      %min3A_469 = arith.minimumf %get3A_460, %get3A_468 : vector<16xf32>
      %max3A_470 = arith.maximumf %get3A_464, %get3A_468 : vector<16xf32>
      %get3A_471 = arith.constant 8 : i32
      %get3A_472 = arith.index_cast %get3A_471 : i32 to index
      %get3A_473 = arith.constant 16 : index
      %get3A_474 = tpu.vector_load %arg14[%get3A_472, %get3A_473] {strides = array<i32>} : memref<24x32xf32, #tpu.memory_space<vmem>>, vector<16xf32>,
      %min3A_475 = arith.minimumf %min3A_469, %get3A_474 : vector<16xf32>
      %max3A_476 = arith.maximumf %max3A_470, %get3A_474 : vector<16xf32>
      %get3A_477 = arith.constant 11 : i32
      %get3A_478 = arith.index_cast %get3A_477 : i32 to index
      %get3A_479 = arith.constant 16 : index
      %get3A_480 = tpu.vector_load %arg14[%get3A_478, %get3A_479] {strides = array<i32>} : memref<24x32xf32, #tpu.memory_space<vmem>>, vector<16xf32>,
      %min3A_481 = arith.minimumf %min3A_475, %get3A_480 : vector<16xf32>
      %max3A_482 = arith.maximumf %max3A_476, %get3A_480 : vector<16xf32>
      %get3A_483 = arith.constant 14 : i32
      %get3A_484 = arith.index_cast %get3A_483 : i32 to index
      %get3A_485 = arith.constant 16 : index
      %get3A_486 = tpu.vector_load %arg14[%get3A_484, %get3A_485] {strides = array<i32>} : memref<24x32xf32, #tpu.memory_space<vmem>>, vector<16xf32>,
      %min3A_487 = arith.minimumf %min3A_481, %get3A_486 : vector<16xf32>
      %max3A_488 = arith.maximumf %max3A_482, %get3A_486 : vector<16xf32>
      %get3A_489 = arith.constant 17 : i32
      %get3A_490 = arith.index_cast %get3A_489 : i32 to index
      %get3A_491 = arith.constant 16 : index
      %get3A_492 = tpu.vector_load %arg14[%get3A_490, %get3A_491] {strides = array<i32>} : memref<24x32xf32, #tpu.memory_space<vmem>>, vector<16xf32>,
      %min3A_493 = arith.minimumf %min3A_487, %get3A_492 : vector<16xf32>
      %max3A_494 = arith.maximumf %max3A_488, %get3A_492 : vector<16xf32>
      %get3A_495 = arith.constant 20 : i32
      %get3A_496 = arith.index_cast %get3A_495 : i32 to index
      %get3A_497 = arith.constant 16 : index
      %get3A_498 = tpu.vector_load %arg14[%get3A_496, %get3A_497] {strides = array<i32>} : memref<24x32xf32, #tpu.memory_space<vmem>>, vector<16xf32>,
      %min3A_499 = arith.minimumf %min3A_493, %get3A_498 : vector<16xf32>
      %max3A_500 = arith.maximumf %max3A_494, %get3A_498 : vector<16xf32>
      %get3A_501 = arith.constant 23 : i32
      %get3A_502 = arith.index_cast %get3A_501 : i32 to index
      %get3A_503 = arith.constant 16 : index
      %get3A_504 = tpu.vector_load %arg14[%get3A_502, %get3A_503] {strides = array<i32>} : memref<24x32xf32, #tpu.memory_space<vmem>>, vector<16xf32>,
      %min3A_505 = arith.minimumf %min3A_499, %get3A_504 : vector<16xf32>
      %max3A_506 = arith.maximumf %max3A_500, %get3A_504 : vector<16xf32>
      %min3A_507 = arith.minimumf %gather3A_456, %max3A_506 : vector<16xf32>
      %max3A_508 = arith.maximumf %gather3A_453, %min3A_505 : vector<16xf32>
      %sub3A_509 = arith.subf %min3A_507, %max3A_508 : vector<16xf32>
      %max3A_510 = arith.constant 0.000000e+00 : f32
      %max3A_511 = vector.broadcast %max3A_510 : f32 to vector<16xf32>
      %max3A_512 = arith.maximumf %sub3A_509, %max3A_511 : vector<16xf32>
      %mul3A_513 = arith.mulf %mul3A_442, %max3A_512 : vector<16xf32>
      %sub3A_514 = arith.subf %gather3A_456, %gather3A_453 : vector<16xf32>
      %mul3A_515 = arith.mulf %mul3A_444, %sub3A_514 : vector<16xf32>
      %sub3A_516 = arith.subf %max3A_506, %min3A_505 : vector<16xf32>
      %mul3A_517 = arith.mulf %mul3A_446, %sub3A_516 : vector<16xf32>
      %max3A_518 = arith.maximumf %gather3A_456, %max3A_506 : vector<16xf32>
      %min3A_519 = arith.minimumf %gather3A_453, %min3A_505 : vector<16xf32>
      %sub3A_520 = arith.subf %max3A_518, %min3A_519 : vector<16xf32>
      %mul3A_521 = arith.mulf %mul3A_450, %sub3A_520 : vector<16xf32>
      %add3A_522 = arith.addf %mul3A_515, %mul3A_517 : vector<16xf32>
      %sub3A_523 = arith.subf %add3A_522, %mul3A_513 : vector<16xf32>
      %add3A_524 = arith.constant 1.000000e-07 : f32
      %add3A_525 = vector.broadcast %add3A_524 : f32 to vector<16xf32>
      %add3A_526 = arith.addf %sub3A_523, %add3A_525 : vector<16xf32>
      %div3A_527 = arith.divf %mul3A_513, %add3A_526 : vector<16xf32>
      %sub3A_528 = arith.subf %mul3A_521, %sub3A_523 : vector<16xf32>
      %add3A_529 = arith.constant 1.000000e-07 : f32
      %add3A_530 = vector.broadcast %add3A_529 : f32 to vector<16xf32>
      %add3A_531 = arith.addf %mul3A_521, %add3A_530 : vector<16xf32>
      %div3A_532 = arith.divf %sub3A_528, %add3A_531 : vector<16xf32>
      %sub3A_533 = arith.subf %div3A_527, %div3A_532 : vector<16xf32>
      %reduce_sum3A_534 = arith.constant true
      %reduce_sum3A_535 = vector.broadcast %reduce_sum3A_534 : i1 to vector<16xi1>
      %reduce_sum3A_536 = tpu.scan <sum>, %sub3A_533 masked %reduce_sum3A_535 : vector<16xf32>, vector<16xi1> -> vector<16xf32>
      %reduce_sum3A_537 = vector.extract %reduce_sum3A_536[15] : f32 from vector<16xf32>
      %add3A_538 = arith.addf %add3A_283, %reduce_sum3A_537 : f32
      %eq3A_539 = arith.constant 1 : i32
      %eq3A_540 = vector.broadcast %eq3A_539 : i32 to vector<16xi32>
      %eq3A_541 = arith.cmpi eq, %iota3A, %eq3A_540 : vector<16xi32>
      %eq3A_542 = arith.constant 2 : i32
      %eq3A_543 = vector.broadcast %eq3A_542 : i32 to vector<16xi32>
      %eq3A_544 = arith.cmpi eq, %iota3A, %eq3A_543 : vector<16xi32>
      %jit3A = arith.constant 0.000000e+00 : f32
      %broadcast_in_dim3A_545 = vector.broadcast %add3A_538 : f32 to vector<16xf32>
      %broadcast_in_dim3A_546 = vector.broadcast %jit3A : f32 to vector<16xf32>
      %select_n3A = arith.select %eq3A_544, %broadcast_in_dim3A_545, %broadcast_in_dim3A_546 : vector<16xi1>, vector<16xf32>
      %broadcast_in_dim3A_547 = vector.broadcast %add3A_300 : f32 to vector<16xf32>
      %select_n3A_548 = arith.select %eq3A_541, %broadcast_in_dim3A_547, %select_n3A : vector<16xi1>, vector<16xf32>
      %broadcast_in_dim3A_549 = vector.broadcast %add3A_294 : f32 to vector<16xf32>
      %select_n3A_550 = arith.select %eq3A_4, %broadcast_in_dim3A_549, %select_n3A_548 : vector<16xi1>, vector<16xf32>
      %swap3A = arith.constant 0 : index
      %swap3A_551 = tpu.vector_load %arg21[%swap3A] {strides = array<i32>} : memref<16xf32, #tpu.memory_space<vmem>>, vector<16xf32>,
      tpu.vector_store %arg21[%swap3A], %select_n3A_550 {strides = array<i32>} : memref<16xf32, #tpu.memory_space<vmem>>, vector<16xf32>,
      "tpu.region"() ({
        %run_scoped3A = tpu.sem_alloc : memref<!tpu.dma_semaphore, #tpu.memory_space<semaphore_mem>>
        %dma_start3A = arith.constant 0 : i32
        %dma_start3A_552 = tpu.memref_slice %arg8[%add3A, %dma_start3A] : memref<8x16xf32, #tpu.memory_space<hbm>> -> memref<1x16xf32, #tpu.memory_space<hbm>>
        %dma_start3A_553 = tpu.memref_squeeze %dma_start3A_552 : memref<1x16xf32, #tpu.memory_space<hbm>> -> memref<16xf32, #tpu.memory_space<hbm>>
        %dma_start3A_554 = arith.constant 0 : i32
        %dma_start3A_555 = tpu.memref_slice %arg8[%add3A, %dma_start3A_554] : memref<8x16xf32, #tpu.memory_space<hbm>> -> memref<1x16xf32, #tpu.memory_space<hbm>>
        %dma_start3A_556 = tpu.memref_squeeze %dma_start3A_555 : memref<1x16xf32, #tpu.memory_space<hbm>> -> memref<16xf32, #tpu.memory_space<hbm>>
        tpu.enqueue_dma source(%arg21 : memref<16xf32, #tpu.memory_space<vmem>>) target(%dma_start3A_556 : memref<16xf32, #tpu.memory_space<hbm>>) target_semaphore(%run_scoped3A : memref<!tpu.dma_semaphore, #tpu.memory_space<semaphore_mem>>)
        %dma_wait3A = arith.constant 0 : i32
        %dma_wait3A_557 = tpu.memref_slice %arg8[%add3A, %dma_wait3A] : memref<8x16xf32, #tpu.memory_space<hbm>> -> memref<1x16xf32, #tpu.memory_space<hbm>>
        %dma_wait3A_558 = tpu.memref_squeeze %dma_wait3A_557 : memref<1x16xf32, #tpu.memory_space<hbm>> -> memref<16xf32, #tpu.memory_space<hbm>>
        %dma_wait3A_559 = arith.constant 0 : i32
        %dma_wait3A_560 = tpu.memref_slice %arg8[%add3A, %dma_wait3A_559] : memref<8x16xf32, #tpu.memory_space<hbm>> -> memref<1x16xf32, #tpu.memory_space<hbm>>
        %dma_wait3A_561 = tpu.memref_squeeze %dma_wait3A_560 : memref<1x16xf32, #tpu.memory_space<hbm>> -> memref<16xf32, #tpu.memory_space<hbm>>
        tpu.wait_dma2 semaphore(%run_scoped3A : memref<!tpu.dma_semaphore, #tpu.memory_space<semaphore_mem>>) src(%arg21 : memref<16xf32, #tpu.memory_space<vmem>>) dst(%dma_wait3A_561 : memref<16xf32, #tpu.memory_space<hbm>>)
        tpu.yield
      }) : () -> ()
    } else {
    }
    return
  }
}

module attributes {stable_mosaic.version = 14 : i64} {
  func.func @_tc_body(%arg0: memref<8x32x256xf32, #tpu.memory_space<vmem>>, %arg1: memref<8x16xf32, #tpu.memory_space<vmem>>, %arg2: memref<4xf32, #tpu.memory_space<smem>>) attributes {dimension_semantics = [], scalar_prefetch = 0 : i64, scratch_operands = 0 : i64, tpu.core_type = #tpu.core_type<tc>} {
    %get3A = arith.constant 0 : index
    %get3A_0 = arith.constant 0 : index
    %get3A_1 = arith.constant 0 : index
    %get3A_2 = vector.load %arg0[%get3A, %get3A_0, %get3A_1] : memref<8x32x256xf32, #tpu.memory_space<vmem>>, vector<8x32x256xf32>
    %max3A = arith.constant 0.000000e+00 : f32
    %max3A_3 = vector.broadcast %max3A : f32 to vector<8x32x256xf32>
    %max3A_4 = arith.maximumf %get3A_2, %max3A_3 : vector<8x32x256xf32>
    %abs3A = math.absf %get3A_2 : vector<8x32x256xf32>
    %neg3A = arith.constant 0.000000e+00 : f32
    %neg3A_5 = vector.broadcast %neg3A : f32 to vector<8x32x256xf32>
    %neg3A_6 = arith.subf %neg3A_5, %abs3A : vector<8x32x256xf32>
    %exp3A = math.exp %neg3A_6 : vector<8x32x256xf32>
    %add3A = arith.constant 1.000000e+00 : f32
    %add3A_7 = vector.broadcast %add3A : f32 to vector<8x32x256xf32>
    %add3A_8 = arith.addf %add3A_7, %exp3A : vector<8x32x256xf32>
    %log3A = math.log %add3A_8 : vector<8x32x256xf32>
    %add3A_9 = arith.addf %max3A_4, %log3A : vector<8x32x256xf32>
    %reduce_sum3A = vector.shape_cast %add3A_9 : vector<8x32x256xf32> to vector<1x8x32x256xf32>
    %reduce_sum3A_10 = arith.constant dense<0.000000e+00> : vector<1xf32>
    %reduce_sum3A_11 = vector.multi_reduction <add>, %reduce_sum3A, %reduce_sum3A_10 [1, 2, 3] : vector<1x8x32x256xf32> to vector<1xf32>
    %reduce_sum3A_12 = vector.shape_cast %reduce_sum3A_11 : vector<1xf32> to vector<1x1x1x1xf32>
    %reduce_sum3A_13 = vector.extract %reduce_sum3A_12[0, 0, 0, 0] : f32 from vector<1x1x1x1xf32>
    %get3A_14 = arith.constant 0 : index
    %get3A_15 = arith.constant 0 : index
    %get3A_16 = vector.load %arg1[%get3A_14, %get3A_15] : memref<8x16xf32, #tpu.memory_space<vmem>>, vector<8x16xf32>
    %slice3A = vector.extract_strided_slice %get3A_16 {offsets = [0, 0], sizes = [8, 1], strides = [1, 1]} : vector<8x16xf32> to vector<8x1xf32>
    %reduce_sum3A_17 = vector.shape_cast %slice3A : vector<8x1xf32> to vector<1x8x1xf32>
    %reduce_sum3A_18 = arith.constant dense<0.000000e+00> : vector<1xf32>
    %reduce_sum3A_19 = vector.multi_reduction <add>, %reduce_sum3A_17, %reduce_sum3A_18 [1, 2] : vector<1x8x1xf32> to vector<1xf32>
    %reduce_sum3A_20 = vector.shape_cast %reduce_sum3A_19 : vector<1xf32> to vector<1x1x1xf32>
    %reduce_sum3A_21 = vector.extract %reduce_sum3A_20[0, 0, 0] : f32 from vector<1x1x1xf32>
    %slice3A_22 = vector.extract_strided_slice %get3A_16 {offsets = [0, 1], sizes = [8, 1], strides = [1, 1]} : vector<8x16xf32> to vector<8x1xf32>
    %reduce_sum3A_23 = vector.shape_cast %slice3A_22 : vector<8x1xf32> to vector<1x8x1xf32>
    %reduce_sum3A_24 = arith.constant dense<0.000000e+00> : vector<1xf32>
    %reduce_sum3A_25 = vector.multi_reduction <add>, %reduce_sum3A_23, %reduce_sum3A_24 [1, 2] : vector<1x8x1xf32> to vector<1xf32>
    %reduce_sum3A_26 = vector.shape_cast %reduce_sum3A_25 : vector<1xf32> to vector<1x1x1xf32>
    %reduce_sum3A_27 = vector.extract %reduce_sum3A_26[0, 0, 0] : f32 from vector<1x1x1xf32>
    %slice3A_28 = vector.extract_strided_slice %get3A_16 {offsets = [0, 2], sizes = [8, 1], strides = [1, 1]} : vector<8x16xf32> to vector<8x1xf32>
    %reduce_sum3A_29 = vector.shape_cast %slice3A_28 : vector<8x1xf32> to vector<1x8x1xf32>
    %reduce_sum3A_30 = arith.constant dense<0.000000e+00> : vector<1xf32>
    %reduce_sum3A_31 = vector.multi_reduction <add>, %reduce_sum3A_29, %reduce_sum3A_30 [1, 2] : vector<1x8x1xf32> to vector<1xf32>
    %reduce_sum3A_32 = vector.shape_cast %reduce_sum3A_31 : vector<1xf32> to vector<1x1x1xf32>
    %reduce_sum3A_33 = vector.extract %reduce_sum3A_32[0, 0, 0] : f32 from vector<1x1x1xf32>
    %sub3A = arith.subf %reduce_sum3A_13, %reduce_sum3A_21 : f32
    %div3A = arith.constant 6.553600e+04 : f32
    %div3A_34 = arith.divf %sub3A, %div3A : f32
    %div3A_35 = arith.constant 1.536000e+03 : f32
    %div3A_36 = arith.divf %reduce_sum3A_27, %div3A_35 : f32
    %div3A_37 = arith.constant 2.560000e+02 : f32
    %div3A_38 = arith.divf %reduce_sum3A_33, %div3A_37 : f32
    %sub3A_39 = arith.constant 1.000000e+00 : f32
    %sub3A_40 = arith.subf %sub3A_39, %div3A_38 : f32
    %mul3A = arith.constant 1.000000e+00 : f32
    %mul3A_41 = arith.mulf %div3A_34, %mul3A : f32
    %mul3A_42 = arith.constant 5.000000e+00 : f32
    %mul3A_43 = arith.mulf %div3A_36, %mul3A_42 : f32
    %add3A_44 = arith.addf %mul3A_41, %mul3A_43 : f32
    %mul3A_45 = arith.constant 2.000000e+00 : f32
    %mul3A_46 = arith.mulf %sub3A_40, %mul3A_45 : f32
    %add3A_47 = arith.addf %add3A_44, %mul3A_46 : f32
    %swap3A = arith.constant 0 : index
    %swap3A_48 = memref.load %arg2[%swap3A] : memref<4xf32, #tpu.memory_space<smem>>
    memref.store %add3A_47, %arg2[%swap3A] : memref<4xf32, #tpu.memory_space<smem>>
    %swap3A_49 = arith.constant 1 : index
    %swap3A_50 = memref.load %arg2[%swap3A_49] : memref<4xf32, #tpu.memory_space<smem>>
    memref.store %div3A_34, %arg2[%swap3A_49] : memref<4xf32, #tpu.memory_space<smem>>
    %swap3A_51 = arith.constant 2 : index
    %swap3A_52 = memref.load %arg2[%swap3A_51] : memref<4xf32, #tpu.memory_space<smem>>
    memref.store %div3A_36, %arg2[%swap3A_51] : memref<4xf32, #tpu.memory_space<smem>>
    %swap3A_53 = arith.constant 3 : index
    %swap3A_54 = memref.load %arg2[%swap3A_53] : memref<4xf32, #tpu.memory_space<smem>>
    memref.store %sub3A_40, %arg2[%swap3A_53] : memref<4xf32, #tpu.memory_space<smem>>
    return
  }
}

</mosaic_0001>

<sc_bundles>
// kernel: kernel.4.cloned.1.call-start
scs
__scs_entry_jumppad:
0x0: {  	(pc) =	sbr.rel $0x88, $3  }
0x1: {  	(tag) =	ssettag $0x0;
	lr =	simm.s32 $0x1  }
0x2: {  	[smem:$0x3F9B] =	sst lr;
	_ =	strace $0xD0000000  }
0x3: {  	_ = 	snop  }
0x4: {  	_ = 	snop  }
0x5: {  	_ = 	snop  }
0x6: {  	_ = 	snop  }
0x7: {  	_ = 	snop  }
__scs_overlays_trampoline_lowered:
0x8: {  	[smem:$0x3FAA] =	sst s0  }
0x9: {  	[smem:$0x3FAB] =	sst s1  }
0xa: {  	[smem:$0x3FAC] =	sst s2  }
0xb: {  	[smem:$0x3FAD] =	sst s3  }
0xc: {  	[smem:$0x3FAE] =	sst s4  }
0xd: {  	[smem:$0x3FAF] =	sst s5  }
0xe: {  	[smem:$0x3FB0] =	sst s6  }
0xf: {  	[smem:$0x3FB1] =	sst s7  }
0x10: {  	[smem:$0x3FB2] =	sst s8  }
0x11: {  	[smem:$0x3FB3] =	sst s9;
	s0 =	simm.s32 @!p0 $0x0  }
0x12: {  	s1 =	sld [smem:$0x3F99];
	s0 =	simm.s32 @p0 $0x1  }
0x13: {  	[smem:$0x3FB4] =	sst s0;
	s0 =	simm.s32 @!p1 $0x0  }
0x14: {  	s2 =	sld [smem:$0x3F98];
	s0 =	simm.s32 @p1 $0x1  }
0x15: {  	[smem:$0x3FB5] =	sst s0;
	s0 =	simm.s32 @!p2 $0x0  }
0x16: {  	s3 =	sld [smem:$0x3FDB];
	s0 =	simm.s32 @p2 $0x1  }
0x17: {  	s4 =	simm.s32 $0x1BF5;
	[smem:$0x3FB7] =	sst s0  }
0x18: {  	s0 =	sld [smem:$0x3F9A];
	_ =	swait.ge [sflag:s4], $0x0  }
0x19: {  	s7 =	sld [smem:$0x3F9B]  }
0x1a: {  	s8 =	sadd.s32 $0xFFFFE003, lr  }
0x1b: {  	s9 =	sadd.s32 $0xFFFFFEF7, lr;
	s5 =	simm.s32 $0xFFFFFFFF;
	p2 =	slt.u32 s8, $0xFFFFF086  }
0x1c: {  	p1 =	slt.u32 s9, $0xF7A;
	s5 =	simm.s32 @!p2 $0x0  }
0x1d: {  	s5 =	simm.s32 @p1 $0x1;
	p0 =	seq.s32 s7, s2  }
0x1e: {  	s7 =	smul.u32 @!p0 $0xF7A, s2;
	p2 =	seq.s32 @!p0 s5, $0x0  }
0x1f: {  	s9 =	smul.u32 $0xF7A, s1;
	s8 =	simm.s32 @!p0 $0x1BF5;
	p2 =	por !p2, p0  }
0x20: {  	[sflag:s8] =	ssyncset.s32 @!p0 $0xFFFFF086;
	s6 =	sadd.s32 @!p0 s3, s7;
	s7 =	simm.s32 @!p0 $0x108  }
0x21: {  	s3 =	sadd.s32 s3, s9;
	s6 =	sadd.s32 @!p0 $0x88, s6;
	s7 =	simm.s32 @p2 $0x1082  }
0x22: {  	[simem:s7], [sflag:s8] =	dma.local @!p0 [hbm:s6], $0xF7A  }
0x23: {  	s9 =	sor.u32 $0xD0000000, s2;
	s6 =	simm.s32 $0x108;
	_ =	swait.ge @!p0 [sflag:s8], $0x0  }
0x24: {  	s3 =	sadd.s32 $0x88, s3;
	s6 =	simm.s32 @!p1 $0x1082;
	[sflag:s4] =	ssyncset.s32 $0xFFFFF086  }
0x25: {  	[simem:s6], [sflag:s4] =	dma.local [hbm:s3], $0xF7A  }
0x26: {  	[smem:$0x3F9B] =	sst s1;
	(tag) =	ssettag s2;
	_ =	strace s9  }
0x27: {  	s1 =	sld [smem:$0x3FAB]  }
0x28: {  	s2 =	sld [smem:$0x3FAC]  }
0x29: {  	s4 =	sld [smem:$0x3FAE]  }
0x2a: {  	p0 =	seq.s32 s5, $0x0;
	s5 =	sld [smem:$0x3FAF]  }
0x2b: {  	s6 =	sld [smem:$0x3FB0]  }
0x2c: {  	s7 =	sld [smem:$0x3FB1]  }
0x2d: {  	s3 =	simm.s32 $0x108;
	s8 =	sld [smem:$0x3FB2]  }
0x2e: {  	s3 =	simm.s32 @!p0 $0x1082;
	s9 =	sld [smem:$0x3FB3]  }
0x2f: {  	lr =	sadd.s32 s0, s3;
	s0 =	sld [smem:$0x3FAA]  }
0x30: {  	s3 =	sld [smem:$0x3FAD]  }
0x31: {  	[smem:$0x3FB6] =	sst s10  }
0x32: {  	s10 =	sld [smem:$0x3FB4];
	_ =	sdelay $0x3  }
0x33: {  	p0 =	seq.s32 s10, $0x1;
	s10 =	sld [smem:$0x3FB6];
	_ =	sdelay $0x3  }
0x34: {  	[smem:$0x3FB6] =	sst s10  }
0x35: {  	s10 =	sld [smem:$0x3FB5];
	_ =	sdelay $0x3  }
0x36: {  	p1 =	seq.s32 s10, $0x1;
	s10 =	sld [smem:$0x3FB6];
	_ =	sdelay $0x3  }
0x37: {  	[smem:$0x3FB6] =	sst s10  }
0x38: {  	s10 =	sld [smem:$0x3FB7]  }
0x39: {  	_ = 	snop;
	(pc) =	sbr.ind lr, $3  }
0x3a: {  	_ = 	snop  }
0x3b: {  	_ = 	snop  }
0x3c: {  	p2 =	seq.s32 s10, $0x1;
	s10 =	sld [smem:$0x3FB6]  }
0x3d: {  	_ =	shalt  }
0x3e: {  	_ =	shalt  }
0x3f: {  	_ =	shalt  }
0x40: {  	_ =	shalt  }
0x41: {  	_ =	shalt  }
0x42: {  	_ =	shalt  }
0x43: {  	_ =	shalt  }
0x44: {  	_ =	shalt  }
0x45: {  	_ =	shalt  }
0x46: {  	_ =	shalt  }
0x47: {  	_ =	shalt  }
0x48: {  	_ =	shalt  }
0x49: {  	_ =	shalt  }
0x4a: {  	_ =	shalt  }
0x4b: {  	_ =	shalt  }
0x4c: {  	_ =	shalt  }
0x4d: {  	_ =	shalt  }
0x4e: {  	_ =	shalt  }
0x4f: {  	_ =	shalt  }
0x50: {  	_ =	shalt  }
0x51: {  	_ =	shalt  }
0x52: {  	_ =	shalt  }
0x53: {  	_ =	shalt  }
0x54: {  	_ =	shalt  }
0x55: {  	_ =	shalt  }
0x56: {  	_ =	shalt  }
0x57: {  	_ =	shalt  }
0x58: {  	_ =	shalt  }
0x59: {  	_ =	shalt  }
0x5a: {  	_ =	shalt  }
0x5b: {  	_ =	shalt  }
0x5c: {  	_ =	shalt  }
0x5d: {  	_ =	shalt  }
0x5e: {  	_ =	shalt  }
0x5f: {  	_ =	shalt  }
0x60: {  	_ =	shalt  }
0x61: {  	_ =	shalt  }
0x62: {  	_ =	shalt  }
0x63: {  	_ =	shalt  }
0x64: {  	_ =	shalt  }
0x65: {  	_ =	shalt  }
0x66: {  	_ =	shalt  }
0x67: {  	_ =	shalt  }
0x68: {  	_ =	shalt  }
0x69: {  	_ =	shalt  }
0x6a: {  	_ =	shalt  }
0x6b: {  	_ =	shalt  }
0x6c: {  	_ =	shalt  }
0x6d: {  	_ =	shalt  }
0x6e: {  	_ =	shalt  }
0x6f: {  	_ =	shalt  }
0x70: {  	_ =	shalt  }
0x71: {  	_ =	shalt  }
0x72: {  	_ =	shalt  }
0x73: {  	_ =	shalt  }
0x74: {  	_ =	shalt  }
0x75: {  	_ =	shalt  }
0x76: {  	_ =	shalt  }
0x77: {  	_ =	shalt  }
0x78: {  	_ =	shalt  }
0x79: {  	_ =	shalt  }
0x7a: {  	_ =	shalt  }
0x7b: {  	_ =	shalt  }
0x7c: {  	_ =	shalt  }
0x7d: {  	_ =	shalt  }
0x7e: {  	_ =	shalt  }
0x7f: {  	_ =	shalt  }
0x80: {  	_ =	shalt  }
0x81: {  	_ =	shalt  }
0x82: {  	_ =	shalt  }
0x83: {  	_ =	shalt  }
0x84: {  	_ =	shalt  }
0x85: {  	_ =	shalt  }
0x86: {  	_ =	shalt  }
0x87: {  	_ =	shalt  }
.Lfunc_end0:
.L_simem_size_0:
called_computation_lowered:
.L_overlay_start_0:
0x88: {  	s2 =	sld [smem:$0x3FD9]  }
0x89: {  	s3 =	sld [smem:$0x3FFE];
	_ =	sdelay $0x1  }
0x8a: {  	s1 =	srdreg.scid  }
0x8b: {  	s0 =	sand.u32 $0x1, s1  }
0x8c: {  	s17 =	sshll.u32 s0, $0xA;
	s2 =	sadd.s32 s3, s2  }
0x8d: {  	s2 =	sadd.s32 s2, s17  }
0x8e: {  	[smem:$0x3FC2] =	sst s2  }
0x8f: {  	_ = 	snop  }
0x90: {  	s2 =	sld [smem:$0x3FC6];
	(tm) =	ssettm $0x1  }
0x91: {  	s18 =	sld [smem:$0x3FFB];
	_ =	sdelay $0x3  }
0x92: {  	_ =	strace s18  }
0x93: {  	s3 =	sld [smem:$0x3FFC];
	_ =	sdelay $0x3  }
0x94: {  	_ =	strace s3  }
0x95: {  	s3 =	sld [smem:$0x3FFD];
	_ =	sdelay $0x3  }
0x96: {  	_ =	strace s3  }
0x97: {  	_ =	strace $0x8FFFFFFF  }
0x98: {  	s19 =	sld [smem:$0x3FDB];
	_ =	sdelay $0x1  }
0x99: {  	s4 =	simm.s32 $_scs_section_size  }
0x9a: {  	s5 =	simm.s32 $_size__tile_overlayer_lowered;
	s6 =	simm.s32 $_tile_overlayer_lowered  }
0x9b: {  	s22 =	simm.s32 $0x1BFF;
	s21 =	sshll.u32 s6, $0x1;
	s3 =	sadd.s32 s4, s19  }
0x9c: {  	s7 =	simm.s32 $0x0;
	s20 =	sshll.u32 s5, $0x1;
	s5 =	sadd.s32 s21, s3  }
0x9d: {  	[timem:s7], [sflag:s22] =	dma.local [hbm:s5], s20  }
0x9e: {  	_ =	swait.ge [sflag:s22], s20  }
0x9f: {  	s4 =	ssub.s32 $0x0, s20;
	[sflag:s22] =	ssyncset.done $0x0  }
0xa0: {  	[sflag:s22] =	ssyncadd.s32 s4;
	_ =	sdelay $0x1  }
0xa1: {  	s23 =	simm.s32 $0x1B8B  }
0xa2: {  	_ =	swait.ge [sflag:s23], $0x1  }
0xa3: {  	[sflag:s23] =	ssyncset.done $0x0  }
0xa4: {  	s25 =	simm.s32 $0x1B8E;
	s24 =	sld [smem:$0x3FFE];
	[sflag:s23] =	ssyncadd.s32 $0xFFFFFFFF  }
0xa5: {  	s26 =	simm.s32 $execute0_lowered;
	[smem:$0x3FD2] =	sst s25  }
0xa6: {  	s5 =	sshll.u32 s26, $0x1;
	_ =	strace $0x80000046;
	[dreg:$0x1] =	wrdreg $0xFFFFFFFF  }
0xa7: {  	s28 =	simm.s32 $_size_execute0_lowered;
	s3 =	sadd.s32 s3, s5;
	[dreg:$0x0] =	wrdreg $0x0  }
0xa8: {  	s5 =	sshll.u32 s28, $0x1;
	[dreg:$0x2] =	wrdreg s3  }
0xa9: {  	[dreg:$0x3] =	wrdreg s5  }
0xaa: {  	[dreg:$0x4] =	wrdreg $0xC0  }
0xab: {  	_ =	task [dreg:s7], $0x5FFFF  }
0xac: {  	[dreg:$0x1] =	wrdreg $0xFFFFFFFF  }
0xad: {  	[dreg:$0x0] =	wrdreg $0x60  }
0xae: {  	[dreg:$0x2] =	wrdreg s24  }
0xaf: {  	[dreg:$0x3] =	wrdreg s2  }
0xb0: {  	[dreg:$0x4] =	wrdreg $0x9  }
0xb1: {  	_ =	task.clear_ibuf [dreg:s7], $0x5FFFF;
	_ =	strace $0x90000046  }
0xb2: {  	s29 =	simm.s32 $0x9;
	_ =	strace $0x80000048  }
0xb3: {  	_ =	swait.ge [sflag:s29], $0x1  }
0xb4: {  	[sflag:s29] =	ssyncadd.s32 $0xFFFFFFFF  }
0xb5: {  	_ =	strace $0x90000048  }
0xb6: {  	_ =	sfence  }
0xb7: {  	s30 =	sld [smem:$0x0];
	_ =	sdelay $0x2  }
0xb8: {  	s31 =	sshll.u32 s1, $0xD;
	s1 =	sshrl.u32 s1, $0x2  }
0xb9: {  	s3 =	sand.u32 $0x4000, s31;
	s1 =	sadd.s32 s1, s30  }
0xba: {  	s0 =	sor.u32 s3, s0;
	s1 =	sshll.u32 s1, $0x11  }
0xbb: {  	s0 =	sor.u32 s1, s0  }
0xbc: {  	s0 =	sadd.s32 $0x8F2B, s0  }
0xbd: {  	[sflag:s0] =	ssyncadd.remote.s32 $0x1  }
0xbe: {  	_ =	sfence.sel $0xFFFF  }
0xbf: {  	[dreg:$0x0] =	wrdreg $0xFFFFFFFF;
	(pc) =	sbr.abs _section_cstart, $3  }
0xc0: {  	[dreg:$0x1] =	wrdreg $0xFFFFFFFF  }
0xc1: {  	_ =	task.clear_ibuf [dreg:s7], $0x2FFFF;
	_ =	strace $0x9FFFFFFF  }
0xc2: {  	(tm) =	ssettm $0x7FFFFFFF  }
0xc3: {  	_ =	shalt  }
tec
execute0_lowered:
.L_overlay_start_1:
0x0: {  	(tag) =	ssettag $0x1  }
0x1: {  	s0 =	stileid.u32  }
0x2: {  	p0 =	sgt.u32 s0, $0x3  }
.Ltmp0:
0x3: {  	_ = 	snop;
	(pc) =	sbr.rel @p0 .LBB2_11-.Ltmp0, $4  }
0x4: {  	_ = 	snop  }
0x5: {  	s3 =	rddreg [dreg:$0x0];
	s2 =	simm.s32 $0x0  }
0x6: {  	[smem:$0x7FF] =	sst s2  }
0x7: {  	s5 =	rddreg [dreg:$0x1];
	_ =	strace $0x80000047  }
0x8: {  	v17 =	vlaneseq.u32  }
0x9: {  	v0 =	vimm.f32 $0.0e+00;
	v18 =	vimm.s32 $0xB80;
	vm0 =	vcmask $0x300  }
0xa: {  	v19 =	vimm.s32 $0x1B80;
	vm1 =	vcmask $0x704;
	vm2 =	vcmask $0xB08  }
0xb: {  	vm3 =	vcmask $0xF0C;
	vm4 =	vcmask $0x1310;
	vm11 =	vcmask $0x1B18  }
0xc: {  	vm12 =	vcmask $0x2320;
	vm13 =	vcmask $0x2B28;
	vm14 =	vcmask $0x3330  }
0xd: {  	vm15 =	vcmask $0x3B38;
	v1 =	vmul.u32 $0x80, v17;
	v2 =	vor.u32 $0x800000F0, v17  }
0xe: {  	v3 =	vor.u32 $0x800000E0, v17;
	v4 =	vor.u32 $0x800000D0, v17;
	v5 =	vor.u32 $0x800000C0, v17  }
0xf: {  	v6 =	vor.u32 $0x800000B0, v17;
	v7 =	vor.u32 $0x800000A0, v17;
	v8 =	vor.u32 $0x80000090, v17  }
0x10: {  	v9 =	vor.u32 $0x80000080, v17;
	v18 =	vsel vm0, $0x0, v18;
	v19 =	vsel vm0, $0x1000, v19  }
0x11: {  	s10 =	sadd.s32 $0x4C00, s3;
	v10 =	vor.u32 $0x80000070, v17;
	v18 =	vsel vm1, $0x80, v18;
	v19 =	vsel vm1, $0x1080, v19  }
0x12: {  	s4 =	srdreg.scid;
	s14 =	simm.s32 $0x9800;
	s15 =	simm.s32 $0x9880;
	v11 =	vor.u32 $0x80000060, v17;
	v18 =	vsel vm2, $0x100, v18;
	v19 =	vsel vm2, $0x1100, v19  }
0x13: {  	s0 =	stileid.u32;
	s16 =	simm.s32 $0xB080;
	s17 =	simm.s32 $0x11C80;
	v12 =	vor.u32 $0x80000050, v17;
	v18 =	vsel vm3, $0x180, v18;
	v19 =	vsel vm3, $0x1180, v19  }
0x14: {  	s18 =	simm.s32 $0x11D80;
	s19 =	simm.s32 $0xDC80;
	s20 =	simm.s32 $0xFC80;
	vm3 =	vcmask $0x1714;
	v18 =	vsel vm4, $0x200, v18;
	v19 =	vsel vm4, $0x1200, v19  }
0x15: {  	s21 =	simm.s32 $0x11E00;
	v13 =	vor.u32 $0x80000040, v17;
	s6 =	sand.u32 $0x1, s4;
	s29 =	sshll.u32 s0, $0x1;
	v18 =	vsel vm3, $0x280, v18;
	v19 =	vsel vm3, $0x1280, v19  }
0x16: {  	s22 =	simm.s32 $0x12600;
	s23 =	simm.s32 $0x0;
	s9 =	sor.u32 s6, s29;
	vm3 =	vcmask $0x1F1C;
	v18 =	vsel vm11, $0x300, v18;
	v19 =	vsel vm11, $0x1300, v19  }
0x17: {  	v14 =	vor.u32 $0x80000030, v17;
	s30 =	ssub.s32 $0x2, s6;
	s4 =	sshll.u32 s9, $0x8;
	s7 =	smul.u32 $0x300, s9;
	v18 =	vsel vm3, $0x380, v18;
	v19 =	vsel vm3, $0x1380, v19  }
0x18: {  	s8 =	sshll.u32 s9, $0x9;
	s11 =	smul.u32 $0x180, s9;
	s12 =	sshll.u32 s9, $0x4;
	vm3 =	vcmask $0x2724;
	v18 =	vsel vm12, $0x800, v18;
	v19 =	vsel vm12, $0x1800, v19  }
0x19: {  	v15 =	vor.u32 $0x80000020, v17;
	s31 =	sshrl.u32 s30, $0x1;
	s9 =	sshll.u32 s9, $0xC;
	s4 =	sadd.s32 s4, s3;
	v18 =	vsel vm3, $0x880, v18;
	v19 =	vsel vm3, $0x1880, v19  }
0x1a: {  	s8 =	sadd.s32 s8, s3;
	s13 =	sadd.s32 s12, s3;
	s5 =	sadd.s32 s5, s12;
	vm3 =	vcmask $0x2F2C;
	v18 =	vsel vm13, $0x900, v18;
	v19 =	vsel vm13, $0x1900, v19  }
0x1b: {  	v16 =	vor.u32 $0x80000010, v17;
	s9 =	sadd.s32 s10, s9;
	s7 =	sadd.s32 s7, s3;
	s11 =	sadd.s32 s11, s3;
	v18 =	vsel vm3, $0x980, v18;
	v19 =	vsel vm3, $0x1980, v19  }
0x1c: {  	s3 =	sadd.s32 $0x1000, s4;
	s4 =	sadd.s32 $0x2400, s8;
	s8 =	sadd.s32 $0xCC00, s13;
	vm3 =	vcmask $0x3734;
	v18 =	vsel vm14, $0xA00, v18;
	v19 =	vsel vm14, $0x1A00, v19  }
0x1d: {  	v17 =	vor.u32 $0x80000000, v17;
	s6 =	sadd.s32 $0x3400, s7;
	s7 =	sadd.s32 $0x1800, s11;
	s11 =	ssub.s32 s30, s31;
	v20 =	vsel vm3, $0xA80, v18;
	v21 =	vsel vm3, $0x1A80, v19  }
0x1e: {  	s13 =	simm.s32 $0x8800;
	s10 =	smax.u32 s11, $0x1;
	s11 =	simm.s32 $0x1;
	v18 =	vimm.f32 $1.000000000e+00;
	v19 =	vsel vm15, $0xB00, v20;
	v20 =	vsel vm15, $0x1B00, v21  }
.LBB2_2:
0x1f: {  	s25 =	simm.s32 $0x0  }
0x20: {  	[tilespmem:s25], [sflag:$0x1] =	stream.linear.gather [hbm4b:s9+s25], $0x8000, $0x38;
	[tilespmem:$0x12680] =	vst v63  }
0x21: {  	_ =	swait.ge [sflag:s11], $0x8000  }
0x22: {  	[sflag:s11] =	ssyncset.done $0x0  }
0x23: {  	s0 =	simm.s32 $0x8000;
	[sflag:s11] =	ssyncadd.s32 $0xFFFF8000  }
0x24: {  	[tilespmem:s0], [sflag:$0x1] =	stream.linear.gather [hbm4b:s3+s25], $0x800, $0x38;
	[tilespmem:$0x12680] =	vst v63  }
0x25: {  	_ =	swait.ge [sflag:s11], $0x800  }
0x26: {  	[sflag:s11] =	ssyncset.done $0x0  }
0x27: {  	[sflag:s11] =	ssyncadd.s32 $0xFFFFF800  }
0x28: {  	[tilespmem:s13], [sflag:$0x1] =	stream.linear.gather [hbm4b:s4+s25], $0x1000, $0x38;
	[tilespmem:$0x12680] =	vst v63  }
0x29: {  	_ =	swait.ge [sflag:s11], $0x1000  }
0x2a: {  	[sflag:s11] =	ssyncset.done $0x0  }
0x2b: {  	[sflag:s11] =	ssyncadd.s32 $0xFFFFF000  }
0x2c: {  	[tilespmem:s14], [sflag:$0x1] =	stream.linear.gather [hbm4b:s5+s25], $0x80, $0x38;
	[tilespmem:$0x12680] =	vst v63  }
0x2d: {  	_ =	swait.ge [sflag:s11], $0x80  }
0x2e: {  	[sflag:s11] =	ssyncset.done $0x0  }
0x2f: {  	[sflag:s11] =	ssyncadd.s32 $0xFFFFFF80  }
0x30: {  	[tilespmem:s15], [sflag:$0x1] =	stream.linear.gather [hbm4b:s6+s25], $0x1800, $0x38;
	[tilespmem:$0x12680] =	vst v63  }
0x31: {  	_ =	swait.ge [sflag:s11], $0x1800  }
0x32: {  	[sflag:s11] =	ssyncset.done $0x0  }
0x33: {  	[sflag:s11] =	ssyncadd.s32 $0xFFFFE800  }
0x34: {  	[tilespmem:s16], [sflag:$0x1] =	stream.linear.gather [hbm4b:s7+s25], $0xC00, $0x38;
	[tilespmem:$0x12680] =	vst v63  }
0x35: {  	_ =	swait.ge [sflag:s11], $0xC00  }
0x36: {  	[sflag:s11] =	ssyncset.done $0x0  }
0x37: {  	[sflag:s11] =	ssyncadd.s32 $0xFFFFF400  }
0x38: {  	[tilespmem:$0x11C80] =	vst v0  }
0x39: {  	[tilespmem:$0x11C90] =	vst v0  }
0x3a: {  	[tilespmem:$0x11CA0] =	vst v0  }
0x3b: {  	[tilespmem:$0x11CB0] =	vst v0  }
0x3c: {  	[tilespmem:$0x11CC0] =	vst v0  }
0x3d: {  	[tilespmem:$0x11CD0] =	vst v0  }
0x3e: {  	[tilespmem:$0x11CE0] =	vst v0  }
0x3f: {  	[tilespmem:$0x11CF0] =	vst v0  }
0x40: {  	[tilespmem:$0x11D00] =	vst v0  }
0x41: {  	[tilespmem:$0x11D10] =	vst v0  }
0x42: {  	[tilespmem:$0x11D20] =	vst v0  }
0x43: {  	[tilespmem:$0x11D30] =	vst v0  }
0x44: {  	[tilespmem:$0x11D40] =	vst v0  }
0x45: {  	[tilespmem:$0x11D50] =	vst v0  }
0x46: {  	[tilespmem:$0x11D60] =	vst v0  }
0x47: {  	s26 =	simm.s32 $0x0;
	[tilespmem:$0x11D70] =	vst v0  }
.LBB2_3:
0x48: {  	v21 =	vmov s26;
	_ =	sdelay $0x4  }
0x49: {  	v27 =	vld.idx.msk [tilespmem:v21+s14+$0x0], $0xffff;
	_ =	sdelay $0x1  }
0x4a: {  	v22 =	vmov s25  }
0x4b: {  	v22 =	vshll.u32 v22, $0x7  }
0x4c: {  	v22 =	vor.u32 v1, v22  }
0x4d: {  	v22 =	vadd.s32 v27, v22;
	_ =	sdelay $0x4  }
0x4e: {  	v29 =	vld.idx.msk [tilespmem:v22+s2+$0x0], $0xffff;
	_ =	sdelay $0x1  }
0x4f: {  	v22 =	vshll.u32 v21, $0x7  }
0x50: {  	v23 =	vor.u32 $0x1, v22;
	_ =	sdelay $0x1  }
0x51: {  	v25 =	vsub.f32 $0.0e+00, v29;
	_ =	sdelay $0x1  }
0x52: {  	s24 =	sand.u32 $0x70, s25;
	s28 =	sand.u32 $0x400, s25;
	v25 =	vmul.f32 $1.442695020e+00, v25  }
0x53: {  	s29 =	sor.u32 s24, s28;
	v23 =	vld.idx.msk [tilespmem:v23+s13+$0x0], $0xffff  }
0x54: {  	v31 =	vor.u32 $0x4, v22;
	(erf) = vpow2.f32 v25;
	v25 =	vld [tilespmem:s29+$0x8080]  }
0x55: {  	v30 =	vld [tilespmem:s29+$0x8000]  }
0x56: {  	v24 =	vor.u32 $0x2, v22;
	v21 =	vld.idx.msk [tilespmem:v22+s13+$0x0], $0xffff  }
0x57: {  	v28 =	vor.u32 $0x3, v22;
	_ =	sdelay $0x1  }
0x58: {  	v32 =	vor.u32 $0x5, v22;
	v22 =	vld.idx.msk [tilespmem:v31+s13+$0x0], $0xffff;
	v31 =	vsub.f32 v25, v23  }
0x59: {  	v33 =	vld [tilespmem:s29+$0x8100]  }
0x5a: {  	v26 =	vld.idx.msk [tilespmem:v24+s13+$0x0], $0xffff;
	v30 =	vsub.f32 v30, v21;
	v31 =	vand.u32 $0x7FFFFFFF, v31  }
0x5b: {  	v24 =	vld.idx.msk [tilespmem:v28+s13+$0x0], $0xffff  }
0x5c: {  	v28 =	vld [tilespmem:s29+$0x8180];
	v30 =	vand.u32 $0x7FFFFFFF, v30  }
0x5d: {  	v30 =	vadd.f32 v31, v30;
	v31 =	vpop (erf)  }
0x5e: {  	v34 =	vld [tilespmem:s29+$0x8200];
	v31 =	vadd.f32 $1.000000000e+00, v31  }
0x5f: {  	v62 =	vld [tilespmem:s29+$0x8280];
	v61 =	vsub.f32 v33, v26  }
0x60: {  	v25 =	vld.idx.msk [tilespmem:v32+s13+$0x0], $0xffff;
	(erf) = vrcp.f32 v31  }
0x61: {  	s12 =	sshll.u32 s26, $0x8;
	s28 =	sshll.u32 s26, $0x7;
	v28 =	vsub.f32 v28, v24;
	v32 =	vand.u32 $0x7FFFFFFF, v61  }
0x62: {  	s24 =	sand.u32 $0x1800, s12;
	s28 =	sand.u32 $0x380, s28;
	v30 =	vadd.f32 v32, v30  }
0x63: {  	s24 =	sor.u32 s28, s24;
	v63 =	vsub.f32 v34, v22;
	v28 =	vand.u32 $0x7FFFFFFF, v28  }
0x64: {  	s28 =	simm.s32 $0x10;
	s31 =	sor.u32 s24, s29;
	v28 =	vadd.f32 v28, v30  }
0x65: {  	s30 =	simm.s32 $0x20;
	s29 =	simm.s32 $0x0;
	[tilespmem:s31+$0xDC80] =	vst v29;
	v29 =	vsub.f32 v62, v25;
	v30 =	vmov s28;
	v31 =	vand.u32 $0x7FFFFFFF, v63  }
.LBB2_4:
0x66: {  	p0 =	sne.s32 s30, $0xF0;
	v30 =	vshll.u32 v30, $0x7;
	v28 =	vadd.f32 v31, v28  }
0x67: {  	v30 =	vor.u32 v1, v30;
	v31 =	vand.u32 $0x7FFFFFFF, v29  }
0x68: {  	v30 =	vadd.s32 v27, v30;
	v28 =	vadd.f32 v31, v28  }
0x69: {  	v29 =	vpop (erf)  }
0x6a: {  	v29 =	vsub.f32 v28, v29;
	[tilespmem:s31+$0xFC80] =	vst v28  }
0x6b: {  	s29 =	sadd.s32 $0x80, s29  }
0x6c: {  	s0 =	sand.u32 $0x70, s28;
	s28 =	smov.u32 s30;
	s1 =	sand.u32 $0x400, s29;
	[tilespmem:s31+$0xBC80] =	vst v29  }
0x6d: {  	s0 =	sor.u32 s0, s1;
	v28 =	vld.idx.msk [tilespmem:v30+s2+$0x0], $0xffff  }
0x6e: {  	v29 =	vld [tilespmem:s0+$0x8100]  }
0x6f: {  	v30 =	vld [tilespmem:s0+$0x8180]  }
0x70: {  	v31 =	vld [tilespmem:s0+$0x8200]  }
0x71: {  	v32 =	vld [tilespmem:s0+$0x8280];
	_ =	sdelay $0x1  }
0x72: {  	v33 =	vsub.f32 $0.0e+00, v28;
	_ =	sdelay $0x1  }
0x73: {  	v33 =	vmul.f32 $1.442695020e+00, v33;
	_ =	sdelay $0x1  }
0x74: {  	(erf) = vpow2.f32 v33;
	_ =	sdelay $0x2  }
0x75: {  	s31 =	sor.u32 s24, s0;
	v33 =	vld [tilespmem:s0+$0x8000]  }
0x76: {  	v34 =	vld [tilespmem:s0+$0x8080];
	[tilespmem:s31+$0xDC80] =	vst v28;
	_ =	sdelay $0x4  }
0x77: {  	v28 =	vsub.f32 v33, v21;
	v33 =	vsub.f32 v34, v23;
	v34 =	vpop (erf)  }
0x78: {  	v34 =	vadd.f32 $1.000000000e+00, v34  }
0x79: {  	v29 =	vsub.f32 v29, v26;
	v28 =	vand.u32 $0x7FFFFFFF, v28;
	v33 =	vand.u32 $0x7FFFFFFF, v33  }
0x7a: {  	v28 =	vadd.f32 v33, v28;
	(erf) = vrcp.f32 v34  }
.Ltmp1:
0x7b: {  	v30 =	vsub.f32 v30, v24;
	v29 =	vand.u32 $0x7FFFFFFF, v29;
	(pc) =	sbr.rel @p0 .LBB2_4-.Ltmp1, $4  }
0x7c: {  	v28 =	vadd.f32 v29, v28  }
0x7d: {  	v31 =	vsub.f32 v31, v22;
	v29 =	vand.u32 $0x7FFFFFFF, v30  }
0x7e: {  	v28 =	vadd.f32 v29, v28  }
0x7f: {  	s30 =	sadd.s32 $0x10, s30;
	v31 =	vand.u32 $0x7FFFFFFF, v31;
	v30 =	vmov s28;
	v29 =	vsub.f32 v32, v25  }
0x80: {  	v30 =	vshll.u32 v30, $0x7;
	v28 =	vadd.f32 v31, v28  }
0x81: {  	v30 =	vor.u32 v1, v30;
	v29 =	vand.u32 $0x7FFFFFFF, v29  }
0x82: {  	v27 =	vadd.s32 v27, v30;
	v28 =	vadd.f32 v29, v28  }
0x83: {  	v56 =	vpop (erf)  }
0x84: {  	v29 =	vsub.f32 v28, v56  }
0x85: {  	[tilespmem:s31+$0xFC80] =	vst v28  }
0x86: {  	[tilespmem:s31+$0xBC80] =	vst v29  }
0x87: {  	v27 =	vld.idx.msk [tilespmem:v27+s2+$0x0], $0xffff;
	_ =	sdelay $0x4  }
0x88: {  	v57 =	vsub.f32 $0.0e+00, v27;
	_ =	sdelay $0x1  }
0x89: {  	v28 =	vmul.f32 $1.442695020e+00, v57;
	_ =	sdelay $0x1  }
0x8a: {  	s0 =	sadd.s32 $0x80, s29;
	(erf) = vpow2.f32 v28  }
0x8b: {  	s1 =	sand.u32 $0x70, s28;
	s0 =	sand.u32 $0x400, s0  }
0x8c: {  	s0 =	sor.u32 s1, s0  }
0x8d: {  	v58 =	vld [tilespmem:s0+$0x8000]  }
0x8e: {  	v29 =	vld [tilespmem:s0+$0x8080];
	_ =	sdelay $0x1  }
0x8f: {  	v59 =	vld [tilespmem:s0+$0x8100];
	_ =	sdelay $0x1  }
0x90: {  	v60 =	vld [tilespmem:s0+$0x8180]  }
0x91: {  	v21 =	vsub.f32 v58, v21;
	v23 =	vsub.f32 v29, v23;
	v61 =	vpop (erf)  }
0x92: {  	v62 =	vld [tilespmem:s0+$0x8200];
	v28 =	vadd.f32 $1.000000000e+00, v61  }
0x93: {  	v63 =	vld [tilespmem:s0+$0x8280];
	v26 =	vsub.f32 v59, v26;
	v21 =	vand.u32 $0x7FFFFFFF, v21;
	v23 =	vand.u32 $0x7FFFFFFF, v23  }
0x94: {  	v21 =	vadd.f32 v23, v21;
	(erf) = vrcp.f32 v28  }
0x95: {  	v24 =	vsub.f32 v60, v24;
	v23 =	vand.u32 $0x7FFFFFFF, v26  }
0x96: {  	v21 =	vadd.f32 v23, v21  }
0x97: {  	v22 =	vsub.f32 v62, v22;
	v23 =	vand.u32 $0x7FFFFFFF, v24  }
0x98: {  	v21 =	vadd.f32 v23, v21;
	v23 =	vsub.f32 v63, v25  }
0x99: {  	v22 =	vand.u32 $0x7FFFFFFF, v22  }
0x9a: {  	s26 =	sadd.s32 $0x1, s26;
	v21 =	vadd.f32 v22, v21;
	v22 =	vand.u32 $0x7FFFFFFF, v23  }
0x9b: {  	p0 =	sne.s32 s26, $0x20  }
.Ltmp2:
0x9c: {  	v21 =	vadd.f32 v22, v21;
	(pc) =	sbr.rel @p0 .LBB2_3-.Ltmp2, $4  }
0x9d: {  	s0 =	sor.u32 s24, s0;
	v22 =	vpop (erf)  }
0x9e: {  	[tilespmem:s0+$0xDC80] =	vst v27;
	v22 =	vsub.f32 v21, v22  }
0x9f: {  	[tilespmem:s0+$0xFC80] =	vst v21  }
0xa0: {  	s24 =	simm.s32 $0x0;
	[tilespmem:s0+$0xBC80] =	vst v22  }
0xa1: {  	s0 =	sand.u32 $0xFFFFFC00, s24;
	s1 =	sand.u32 $0x70, s24;
	s25 =	sand.u32 $0x400, s24  }
0xa2: {  	s0 =	sadd.s32 $0x0, s0;
	s25 =	sor.u32 s1, s25  }
0xa3: {  	s26 =	sor.u32 $0x180, s0;
	v22 =	vld [tilespmem:s25+$0x9880]  }
0xa4: {  	v21 =	vld [tilespmem:s26+$0x9880]  }
0xa5: {  	v23 =	vld [tilespmem:s25+$0x9B80]  }
0xa6: {  	v24 =	vld [tilespmem:s25+$0xA100]  }
0xa7: {  	v25 =	vld [tilespmem:s25+$0xA280]  }
0xa8: {  	v26 =	vld [tilespmem:s25+$0xA400]  }
0xa9: {  	v28 =	vld [tilespmem:s25+$0xA980];
	v27 =	vmin.f32 v22, v21  }
0xaa: {  	v52 =	vld [tilespmem:s25+$0xAB00];
	v21 =	vmax.f32 v22, v21;
	v22 =	vmin.f32 v27, v23  }
0xab: {  	v21 =	vmax.f32 v21, v23;
	v22 =	vmin.f32 v22, v24  }
0xac: {  	v21 =	vmax.f32 v21, v24;
	v22 =	vmin.f32 v22, v25  }
0xad: {  	v21 =	vmax.f32 v21, v25;
	v22 =	vmin.f32 v22, v26  }
0xae: {  	v21 =	vmax.f32 v21, v26;
	v22 =	vmin.f32 v22, v28  }
0xaf: {  	v21 =	vmax.f32 v21, v28;
	v22 =	vmin.f32 v22, v52  }
0xb0: {  	v21 =	vmax.f32 v21, v52;
	[tilespmem:s25+$0x11E00] =	vst v22  }
0xb1: {  	s29 =	sor.u32 $0x80, s0;
	[tilespmem:s26+$0x11E00] =	vst v21  }
0xb2: {  	s31 =	sor.u32 s24, s24;
	v21 =	vld [tilespmem:s29+$0x9880]  }
0xb3: {  	s26 =	sor.u32 $0x380, s31;
	v22 =	vld [tilespmem:s25+$0x9A80]  }
0xb4: {  	v23 =	vld [tilespmem:s26+$0x9880]  }
0xb5: {  	v53 =	vld [tilespmem:s25+$0xA180]  }
0xb6: {  	v54 =	vld [tilespmem:s25+$0xA300]  }
0xb7: {  	v55 =	vld [tilespmem:s25+$0xA880]  }
0xb8: {  	v57 =	vld [tilespmem:s25+$0xAA00];
	v56 =	vmin.f32 v21, v22  }
0xb9: {  	v58 =	vld [tilespmem:s25+$0xAB80];
	v21 =	vmax.f32 v21, v22;
	v22 =	vmin.f32 v56, v23  }
0xba: {  	v21 =	vmax.f32 v21, v23;
	v22 =	vmin.f32 v22, v53  }
0xbb: {  	v21 =	vmax.f32 v21, v53;
	v22 =	vmin.f32 v22, v54  }
0xbc: {  	v21 =	vmax.f32 v21, v54;
	v22 =	vmin.f32 v22, v55  }
0xbd: {  	v21 =	vmax.f32 v21, v55;
	v22 =	vmin.f32 v22, v57  }
0xbe: {  	v21 =	vmax.f32 v21, v57;
	v22 =	vmin.f32 v22, v58  }
0xbf: {  	v21 =	vmax.f32 v21, v58;
	[tilespmem:s29+$0x11E00] =	vst v22  }
0xc0: {  	s30 =	sor.u32 $0x280, s0;
	[tilespmem:s25+$0x12000] =	vst v21;
	v21 =	vld [tilespmem:s25+$0x9980]  }
0xc1: {  	v22 =	vld [tilespmem:s30+$0x9880]  }
0xc2: {  	v23 =	vld [tilespmem:s25+$0xA080]  }
0xc3: {  	v59 =	vld [tilespmem:s25+$0xA200]  }
0xc4: {  	v60 =	vld [tilespmem:s25+$0xA380]  }
0xc5: {  	v61 =	vld [tilespmem:s25+$0xA900]  }
0xc6: {  	v62 =	vmin.f32 v21, v22;
	v21 =	vmax.f32 v21, v22  }
0xc7: {  	v63 =	vld [tilespmem:s25+$0xAA80];
	v21 =	vmax.f32 v21, v23  }
0xc8: {  	v22 =	vmin.f32 v62, v23;
	v21 =	vmax.f32 v21, v59  }
0xc9: {  	v22 =	vmin.f32 v22, v59;
	v21 =	vmax.f32 v21, v60  }
0xca: {  	v22 =	vmin.f32 v22, v60;
	v23 =	vmax.f32 v21, v61;
	v21 =	vld [tilespmem:s25+$0xAC00]  }
0xcb: {  	v22 =	vmin.f32 v22, v61  }
0xcc: {  	s28 =	simm.s32 $0x0;
	s26 =	simm.s32 $0x10;
	v22 =	vmin.f32 v22, v63;
	v23 =	vmax.f32 v23, v63  }
.LBB2_7:
0xcd: {  	p0 =	sne.s32 s26, $0xF0  }
0xce: {  	s28 =	sadd.s32 $0x80, s28;
	s0 =	smov.u32 s26;
	s26 =	sadd.s32 $0x10, s26  }
0xcf: {  	v22 =	vmin.f32 v22, v21;
	v21 =	vmax.f32 v23, v21;
	s1 =	sand.u32 $0xFFFFFC00, s28;
	s31 =	sand.u32 $0x70, s0;
	s12 =	sand.u32 $0x400, s28  }
0xd0: {  	s29 =	sadd.s32 s1, s0;
	[tilespmem:s25+$0x11F00] =	vst v22;
	s25 =	sor.u32 s31, s12  }
0xd1: {  	s1 =	sor.u32 $0x180, s29;
	[tilespmem:s30+$0x11E00] =	vst v21  }
0xd2: {  	v21 =	vld [tilespmem:s1+$0x9880]  }
0xd3: {  	v22 =	vld [tilespmem:s25+$0x9880]  }
0xd4: {  	v23 =	vld [tilespmem:s25+$0x9B80]  }
0xd5: {  	v24 =	vld [tilespmem:s25+$0xA100]  }
0xd6: {  	v25 =	vld [tilespmem:s25+$0xA280]  }
0xd7: {  	v26 =	vld [tilespmem:s25+$0xA400]  }
0xd8: {  	v27 =	vmin.f32 v22, v21;
	v21 =	vmax.f32 v22, v21;
	v22 =	vld [tilespmem:s25+$0xA980]  }
0xd9: {  	v27 =	vmin.f32 v27, v23;
	v21 =	vmax.f32 v21, v23;
	v23 =	vld [tilespmem:s25+$0xAB00]  }
0xda: {  	v27 =	vmin.f32 v27, v24;
	v21 =	vmax.f32 v21, v24  }
0xdb: {  	v24 =	vmin.f32 v27, v25;
	v21 =	vmax.f32 v21, v25  }
0xdc: {  	v24 =	vmin.f32 v24, v26;
	v21 =	vmax.f32 v21, v26  }
0xdd: {  	v24 =	vmin.f32 v24, v22;
	v21 =	vmax.f32 v21, v22  }
0xde: {  	v22 =	vmin.f32 v24, v23  }
0xdf: {  	v21 =	vmax.f32 v21, v23;
	[tilespmem:s25+$0x11E00] =	vst v22  }
0xe0: {  	[tilespmem:s1+$0x11E00] =	vst v21;
	s1 =	sor.u32 $0x80, s29  }
0xe1: {  	s0 =	sor.u32 s28, s0;
	v21 =	vld [tilespmem:s1+$0x9880]  }
0xe2: {  	s0 =	sor.u32 $0x380, s0;
	v22 =	vld [tilespmem:s25+$0x9A80]  }
0xe3: {  	v23 =	vld [tilespmem:s0+$0x9880]  }
0xe4: {  	v24 =	vld [tilespmem:s25+$0xA180]  }
0xe5: {  	v25 =	vld [tilespmem:s25+$0xA300]  }
0xe6: {  	v26 =	vld [tilespmem:s25+$0xA880]  }
0xe7: {  	v27 =	vmin.f32 v21, v22;
	v21 =	vmax.f32 v21, v22;
	v22 =	vld [tilespmem:s25+$0xAA00]  }
0xe8: {  	v27 =	vmin.f32 v27, v23;
	v21 =	vmax.f32 v21, v23;
	v23 =	vld [tilespmem:s25+$0xAB80]  }
0xe9: {  	v27 =	vmin.f32 v27, v24;
	v21 =	vmax.f32 v21, v24  }
0xea: {  	v24 =	vmin.f32 v27, v25;
	v21 =	vmax.f32 v21, v25  }
0xeb: {  	v24 =	vmin.f32 v24, v26;
	v21 =	vmax.f32 v21, v26  }
0xec: {  	v24 =	vmin.f32 v24, v22;
	v21 =	vmax.f32 v21, v22  }
0xed: {  	v22 =	vmin.f32 v24, v23  }
0xee: {  	v21 =	vmax.f32 v21, v23;
	[tilespmem:s1+$0x11E00] =	vst v22  }
0xef: {  	s30 =	sor.u32 $0x280, s29;
	[tilespmem:s25+$0x12000] =	vst v21;
	v21 =	vld [tilespmem:s25+$0x9980]  }
0xf0: {  	v22 =	vld [tilespmem:s30+$0x9880]  }
0xf1: {  	v23 =	vld [tilespmem:s25+$0xA080]  }
0xf2: {  	v24 =	vld [tilespmem:s25+$0xA200]  }
0xf3: {  	v25 =	vld [tilespmem:s25+$0xA380]  }
0xf4: {  	v26 =	vld [tilespmem:s25+$0xA900]  }
0xf5: {  	v27 =	vmin.f32 v21, v22;
	v21 =	vmax.f32 v21, v22;
	v28 =	vld [tilespmem:s25+$0xAA80]  }
.Ltmp3:
0xf6: {  	v22 =	vmin.f32 v27, v23;
	v23 =	vmax.f32 v21, v23;
	v21 =	vld [tilespmem:s25+$0xAC00];
	(pc) =	sbr.rel @p0 .LBB2_7-.Ltmp3, $4  }
0xf7: {  	v22 =	vmin.f32 v22, v24;
	v23 =	vmax.f32 v23, v24  }
0xf8: {  	v22 =	vmin.f32 v22, v25;
	v23 =	vmax.f32 v23, v25  }
0xf9: {  	v22 =	vmin.f32 v22, v26;
	v23 =	vmax.f32 v23, v26  }
0xfa: {  	v22 =	vmin.f32 v22, v28;
	v23 =	vmax.f32 v23, v28  }
0xfb: {  	v22 =	vmin.f32 v22, v21  }
0xfc: {  	v21 =	vmax.f32 v23, v21;
	s0 =	sand.u32 $0x1800, s24;
	s1 =	sand.u32 $0x380, s24;
	[tilespmem:s25+$0x11F00] =	vst v22  }
0xfd: {  	s29 =	sor.u32 s1, s0;
	[tilespmem:s30+$0x11E00] =	vst v21  }
0xfe: {  	v21 =	vld [tilespmem:s29+$0xC0E0]  }
0xff: {  	v22 =	vld [tilespmem:s29+$0xC0D0]  }
0x100: {  	v23 =	vld [tilespmem:s29+$0xC0C0]  }
0x101: {  	v24 =	vld [tilespmem:s29+$0xC0B0]  }
0x102: {  	v25 =	vld [tilespmem:s29+$0xC0A0]  }
0x103: {  	v26 =	vld [tilespmem:s29+$0xC090]  }
0x104: {  	v27 =	vld [tilespmem:s29+$0xC080]  }
0x105: {  	v28 =	vld [tilespmem:s29+$0xBCF0]  }
0x106: {  	v29 =	vld [tilespmem:s29+$0xBCE0]  }
0x107: {  	v30 =	vld [tilespmem:s29+$0xBCD0]  }
0x108: {  	v31 =	vld [tilespmem:s29+$0xBCC0]  }
0x109: {  	v32 =	vld [tilespmem:s29+$0xBCB0]  }
0x10a: {  	v33 =	vld [tilespmem:s29+$0xBCA0]  }
0x10b: {  	v34 =	vld [tilespmem:s29+$0xBC90]  }
0x10c: {  	v35 =	vld [tilespmem:s29+$0xBC80]  }
0x10d: {  	v36 =	vld [tilespmem:$0x11C90]  }
0x10e: {  	s26 =	simm.s32 $0x0;
	s28 =	simm.s32 $0x0;
	s25 =	simm.s32 $0x1;
	v37 =	vld [tilespmem:$0x11C80]  }
.LBB2_9:
0x10f: {  	p0 =	sne.s32 s25, $0x1F;
	v38 =	vld [tilespmem:$0x11CA0]  }
0x110: {  	v39 =	vld [tilespmem:$0x11CB0]  }
0x111: {  	v40 =	vld [tilespmem:$0x11CC0]  }
0x112: {  	v41 =	vld [tilespmem:$0x11CD0]  }
0x113: {  	vm4 =	vgt.f32 v36, $5.000000000e-01;
	vm3 =	vgt.f32 v37, $5.000000000e-01;
	v36 =	vld [tilespmem:$0x11CE0]  }
0x114: {  	v34 =	vsel vm4, $0x7F800000, v34;
	v35 =	vsel vm3, $0x7F800000, v35;
	vm3 =	vgt.f32 v38, $5.000000000e-01;
	v37 =	vld [tilespmem:$0x11CF0]  }
0x115: {  	v33 =	vsel vm3, $0x7F800000, v33;
	vm3 =	vgt.f32 v39, $5.000000000e-01;
	v38 =	vld [tilespmem:$0x11D00];
	v39 =	vmin.f32 v35, v34  }
0x116: {  	v32 =	vsel vm3, $0x7F800000, v32;
	vm3 =	vgt.f32 v40, $5.000000000e-01;
	v40 =	vld [tilespmem:$0x11D10];
	v39 =	vmin.f32 v39, v33  }
0x117: {  	v31 =	vsel vm3, $0x7F800000, v31;
	vm3 =	vgt.f32 v41, $5.000000000e-01;
	v41 =	vld [tilespmem:$0x11D20];
	v39 =	vmin.f32 v39, v32  }
0x118: {  	v30 =	vsel vm3, $0x7F800000, v30;
	vm3 =	vgt.f32 v36, $5.000000000e-01;
	v36 =	vld [tilespmem:$0x11D30];
	v39 =	vmin.f32 v39, v31  }
0x119: {  	v29 =	vsel vm3, $0x7F800000, v29;
	vm3 =	vgt.f32 v37, $5.000000000e-01;
	v37 =	vld [tilespmem:$0x11D40];
	v39 =	vmin.f32 v39, v30  }
0x11a: {  	v28 =	vsel vm3, $0x7F800000, v28;
	vm3 =	vgt.f32 v38, $5.000000000e-01;
	v38 =	vld [tilespmem:$0x11D50];
	v39 =	vmin.f32 v39, v29  }
0x11b: {  	v27 =	vsel vm3, $0x7F800000, v27;
	vm3 =	vgt.f32 v40, $5.000000000e-01;
	v40 =	vld [tilespmem:$0x11D60];
	v39 =	vmin.f32 v39, v28  }
0x11c: {  	v26 =	vsel vm3, $0x7F800000, v26;
	vm3 =	vgt.f32 v41, $5.000000000e-01;
	v41 =	vld [tilespmem:$0x11D70];
	v39 =	vmin.f32 v39, v27  }
0x11d: {  	v25 =	vsel vm3, $0x7F800000, v25;
	vm3 =	vgt.f32 v36, $5.000000000e-01;
	v36 =	vld [tilespmem:s29+$0xC0F0];
	v39 =	vmin.f32 v39, v26  }
0x11e: {  	v24 =	vsel vm3, $0x7F800000, v24;
	vm3 =	vgt.f32 v37, $5.000000000e-01;
	v37 =	vmin.f32 v39, v25  }
0x11f: {  	v23 =	vsel vm3, $0x7F800000, v23;
	vm3 =	vgt.f32 v38, $5.000000000e-01;
	v37 =	vmin.f32 v37, v24  }
0x120: {  	v22 =	vsel vm3, $0x7F800000, v22;
	vm3 =	vgt.f32 v40, $5.000000000e-01;
	v37 =	vmin.f32 v37, v23  }
0x121: {  	v21 =	vsel vm3, $0x7F800000, v21;
	vm3 =	vgt.f32 v41, $5.000000000e-01;
	v37 =	vmin.f32 v37, v22  }
0x122: {  	v36 =	vsel vm3, $0x7F800000, v36;
	v37 =	vmin.f32 v37, v21  }
0x123: {  	v37 =	vmin.f32 v37, v36  }
0x124: {  	(xrf0) =	vmin.scan.msk.f32 $0xffff, v37;
	_ =	sdelay $0x5  }
0x125: {  	v37, _, _ =	vpop (xrf0)  }
0x126: {  	v37 =	vbroadcast v37, $0xF;
	_ =	sdelay $0x1  }
0x127: {  	vm3 =	veq.f32 v36, v37  }
0x128: {  	vm4 =	veq.f32 v21, v37;
	v21 =	vnsel vm3, $0x80000400, v2  }
0x129: {  	vm3 =	veq.f32 v22, v37;
	v21 =	vsel vm4, v3, v21  }
0x12a: {  	vm4 =	veq.f32 v23, v37;
	v21 =	vsel vm3, v4, v21  }
0x12b: {  	vm3 =	veq.f32 v24, v37;
	v21 =	vsel vm4, v5, v21  }
0x12c: {  	vm4 =	veq.f32 v25, v37;
	v21 =	vsel vm3, v6, v21  }
0x12d: {  	vm3 =	veq.f32 v26, v37;
	v21 =	vsel vm4, v7, v21  }
0x12e: {  	vm4 =	veq.f32 v27, v37;
	v21 =	vsel vm3, v8, v21  }
0x12f: {  	vm3 =	veq.f32 v28, v37;
	v21 =	vsel vm4, v9, v21  }
0x130: {  	vm4 =	veq.f32 v29, v37;
	v21 =	vsel vm3, v10, v21  }
0x131: {  	vm3 =	veq.f32 v30, v37;
	v21 =	vsel vm4, v11, v21  }
0x132: {  	vm4 =	veq.f32 v31, v37;
	v21 =	vsel vm3, v12, v21  }
0x133: {  	vm3 =	veq.f32 v32, v37;
	v21 =	vsel vm4, v13, v21  }
0x134: {  	vm4 =	veq.f32 v33, v37;
	v21 =	vsel vm3, v14, v21  }
0x135: {  	vm3 =	veq.f32 v34, v37;
	v21 =	vsel vm4, v15, v21  }
0x136: {  	vm4 =	veq.f32 v35, v37;
	v21 =	vsel vm3, v16, v21  }
0x137: {  	v21 =	vsel vm4, v17, v21  }
0x138: {  	(xrf0) =	vmin.scan.msk.u32 $0xffff, v21;
	_ =	sdelay $0x5  }
0x139: {  	v21, _, _ =	vpop (xrf0)  }
0x13a: {  	(v2sf) =	vpush v21, $0xF;
	_ =	sdelay $0xe  }
0x13b: {  	s0 =	spop (v2sf)  }
0x13c: {  	s0 =	sxor.u32 $0x80000000, s0  }
0x13d: {  	v21 =	vmov s0  }
0x13e: {  	v22 =	vmov s24;
	s24 =	smov.u32 s25;
	_ =	sdelay $0x2  }
0x13f: {  	s26 =	sadd.s32 $0x80, s26;
	s28 =	sadd.s32 $0x100, s28  }
0x140: {  	s1 =	sand.u32 $0x380, s26;
	s0 =	sand.u32 $0x1800, s28;
	[tilespmem:v21+s17+$0x0] =	vst.idx.msk $0x1, v18  }
0x141: {  	s29 =	sor.u32 s1, s0;
	[tilespmem:v22+s18+$0x0] =	vst.idx.msk $0x1, v21  }
0x142: {  	v21 =	vld [tilespmem:s29+$0xC0E0]  }
0x143: {  	v22 =	vld [tilespmem:s29+$0xC0D0]  }
0x144: {  	v23 =	vld [tilespmem:s29+$0xC0C0]  }
0x145: {  	v24 =	vld [tilespmem:s29+$0xC0B0]  }
0x146: {  	v25 =	vld [tilespmem:s29+$0xC0A0]  }
0x147: {  	v26 =	vld [tilespmem:s29+$0xC090]  }
0x148: {  	v27 =	vld [tilespmem:s29+$0xC080]  }
0x149: {  	v28 =	vld [tilespmem:s29+$0xBCF0]  }
0x14a: {  	v29 =	vld [tilespmem:s29+$0xBCE0]  }
0x14b: {  	v30 =	vld [tilespmem:s29+$0xBCD0]  }
0x14c: {  	v31 =	vld [tilespmem:s29+$0xBCC0]  }
0x14d: {  	v32 =	vld [tilespmem:s29+$0xBCB0]  }
.Ltmp4:
0x14e: {  	v33 =	vld [tilespmem:s29+$0xBCA0];
	(pc) =	sbr.rel @p0 .LBB2_9-.Ltmp4, $4  }
0x14f: {  	v34 =	vld [tilespmem:s29+$0xBC90]  }
0x150: {  	v35 =	vld [tilespmem:s29+$0xBC80]  }
0x151: {  	v36 =	vld [tilespmem:$0x11C90]  }
0x152: {  	s25 =	sadd.s32 $0x1, s25;
	v37 =	vld [tilespmem:$0x11C80]  }
0x153: {  	v38 =	vld [tilespmem:$0x11CA0]  }
0x154: {  	v39 =	vld [tilespmem:$0x11CB0]  }
0x155: {  	v40 =	vld [tilespmem:$0x11CC0]  }
0x156: {  	v41 =	vld [tilespmem:$0x11CD0]  }
0x157: {  	v52 =	vld [tilespmem:$0x11CE0];
	vm4 =	vgt.f32 v36, $5.000000000e-01;
	vm3 =	vgt.f32 v37, $5.000000000e-01  }
0x158: {  	v53 =	vld [tilespmem:$0x11CF0];
	v34 =	vsel vm4, $0x7F800000, v34;
	v35 =	vsel vm3, $0x7F800000, v35;
	vm3 =	vgt.f32 v38, $5.000000000e-01  }
0x159: {  	v54 =	vld [tilespmem:$0x11D00];
	v33 =	vsel vm3, $0x7F800000, v33;
	vm3 =	vgt.f32 v39, $5.000000000e-01;
	v55 =	vmin.f32 v35, v34  }
0x15a: {  	v56 =	vld [tilespmem:$0x11D10];
	v32 =	vsel vm3, $0x7F800000, v32;
	vm3 =	vgt.f32 v40, $5.000000000e-01;
	v39 =	vmin.f32 v55, v33  }
0x15b: {  	v57 =	vld [tilespmem:$0x11D20];
	v31 =	vsel vm3, $0x7F800000, v31;
	vm3 =	vgt.f32 v41, $5.000000000e-01;
	v39 =	vmin.f32 v39, v32  }
0x15c: {  	v58 =	vld [tilespmem:$0x11D30];
	v30 =	vsel vm3, $0x7F800000, v30;
	vm3 =	vgt.f32 v52, $5.000000000e-01;
	v39 =	vmin.f32 v39, v31  }
0x15d: {  	v59 =	vld [tilespmem:$0x11D40];
	v29 =	vsel vm3, $0x7F800000, v29;
	vm3 =	vgt.f32 v53, $5.000000000e-01;
	v39 =	vmin.f32 v39, v30  }
0x15e: {  	v60 =	vld [tilespmem:$0x11D50];
	v28 =	vsel vm3, $0x7F800000, v28;
	vm3 =	vgt.f32 v54, $5.000000000e-01;
	v39 =	vmin.f32 v39, v29  }
0x15f: {  	v61 =	vld [tilespmem:$0x11D60];
	v27 =	vsel vm3, $0x7F800000, v27;
	vm3 =	vgt.f32 v56, $5.000000000e-01;
	v39 =	vmin.f32 v39, v28  }
0x160: {  	v62 =	vld [tilespmem:$0x11D70];
	v26 =	vsel vm3, $0x7F800000, v26;
	vm3 =	vgt.f32 v57, $5.000000000e-01;
	v39 =	vmin.f32 v39, v27  }
0x161: {  	v63 =	vld [tilespmem:s29+$0xC0F0];
	v25 =	vsel vm3, $0x7F800000, v25;
	vm3 =	vgt.f32 v58, $5.000000000e-01;
	v39 =	vmin.f32 v39, v26  }
0x162: {  	v24 =	vsel vm3, $0x7F800000, v24;
	vm3 =	vgt.f32 v59, $5.000000000e-01;
	v42 =	vmin.f32 v39, v25  }
0x163: {  	v23 =	vsel vm3, $0x7F800000, v23;
	vm3 =	vgt.f32 v60, $5.000000000e-01;
	v37 =	vmin.f32 v42, v24  }
0x164: {  	v22 =	vsel vm3, $0x7F800000, v22;
	vm3 =	vgt.f32 v61, $5.000000000e-01;
	v37 =	vmin.f32 v37, v23  }
0x165: {  	v21 =	vsel vm3, $0x7F800000, v21;
	vm3 =	vgt.f32 v62, $5.000000000e-01;
	v37 =	vmin.f32 v37, v22  }
0x166: {  	v36 =	vsel vm3, $0x7F800000, v63;
	v37 =	vmin.f32 v37, v21  }
0x167: {  	v37 =	vmin.f32 v37, v36  }
0x168: {  	(xrf0) =	vmin.scan.msk.f32 $0xffff, v37;
	_ =	sdelay $0x5  }
0x169: {  	v37, _, _ =	vpop (xrf0)  }
0x16a: {  	v37 =	vbroadcast v37, $0xF;
	_ =	sdelay $0x1  }
0x16b: {  	vm3 =	veq.f32 v36, v37  }
0x16c: {  	vm8 =	veq.f32 v21, v37;
	v21 =	vnsel vm3, $0x80000400, v2  }
0x16d: {  	vm3 =	veq.f32 v22, v37;
	v21 =	vsel vm8, v3, v21  }
0x16e: {  	vm9 =	veq.f32 v23, v37;
	v21 =	vsel vm3, v4, v21  }
0x16f: {  	vm3 =	veq.f32 v24, v37;
	v21 =	vsel vm9, v5, v21  }
0x170: {  	vm10 =	veq.f32 v25, v37;
	v21 =	vsel vm3, v6, v21  }
0x171: {  	vm3 =	veq.f32 v26, v37;
	v21 =	vsel vm10, v7, v21  }
0x172: {  	vm11 =	veq.f32 v27, v37;
	v21 =	vsel vm3, v8, v21  }
0x173: {  	vm3 =	veq.f32 v28, v37;
	v21 =	vsel vm11, v9, v21  }
0x174: {  	vm12 =	veq.f32 v29, v37;
	v21 =	vsel vm3, v10, v21  }
0x175: {  	vm3 =	veq.f32 v30, v37;
	v21 =	vsel vm12, v11, v21  }
0x176: {  	vm13 =	veq.f32 v31, v37;
	v21 =	vsel vm3, v12, v21  }
0x177: {  	vm3 =	veq.f32 v32, v37;
	v21 =	vsel vm13, v13, v21  }
0x178: {  	vm14 =	veq.f32 v33, v37;
	v21 =	vsel vm3, v14, v21  }
0x179: {  	vm3 =	veq.f32 v34, v37;
	v21 =	vsel vm14, v15, v21  }
0x17a: {  	vm15 =	veq.f32 v35, v37;
	v21 =	vsel vm3, v16, v21  }
0x17b: {  	v21 =	vsel vm15, v17, v21  }
0x17c: {  	(xrf0) =	vmin.scan.msk.u32 $0xffff, v21;
	_ =	sdelay $0x5  }
0x17d: {  	v21, _, _ =	vpop (xrf0)  }
0x17e: {  	(v2sf) =	vpush v21, $0xF;
	_ =	sdelay $0xe  }
0x17f: {  	s0 =	spop (v2sf)  }
0x180: {  	s0 =	sxor.u32 $0x80000000, s0  }
0x181: {  	v21 =	vmov s0  }
0x182: {  	v22 =	vmov s24;
	_ =	sdelay $0x3  }
0x183: {  	[tilespmem:v21+s17+$0x0] =	vst.idx.msk $0x1, v18  }
0x184: {  	[tilespmem:v22+s18+$0x0] =	vst.idx.msk $0x1, v21  }
0x185: {  	v21 =	vld [tilespmem:$0x11D80]  }
0x186: {  	v43 =	vld [tilespmem:$0xB200]  }
0x187: {  	v44 =	vld [tilespmem:$0xB380]  }
0x188: {  	v45 =	vld [tilespmem:$0xB500]  }
0x189: {  	v47 =	vld [tilespmem:$0xB680]  }
0x18a: {  	v49 =	vld [tilespmem:$0xB800]  }
0x18b: {  	v50 =	vld [tilespmem:$0xB980];
	v22 =	vshll.u32 v21, $0x3  }
0x18c: {  	v52 =	vld [tilespmem:$0xB100];
	v21 =	vand.u32 $0x7F, v21;
	v22 =	vand.u32 $0xFFFFFC00, v22  }
0x18d: {  	v53 =	vld [tilespmem:$0xB280];
	v21 =	vor.u32 v21, v22  }
0x18e: {  	v55 =	vld [tilespmem:$0xB400];
	v22 =	vor.u32 $0x180, v21  }
0x18f: {  	v56 =	vld [tilespmem:$0xB580]  }
0x190: {  	v57 =	vld [tilespmem:$0xB700]  }
0x191: {  	v59 =	vld [tilespmem:$0xB880]  }
0x192: {  	v62 =	vld [tilespmem:$0x11D90]  }
0x193: {  	v46 =	vor.u32 $0x80, v21;
	v24 =	vld.idx.msk [tilespmem:v22+s21+$0x0], $0xffff  }
0x194: {  	v48 =	vor.u32 $0x200, v21;
	v22 =	vld [tilespmem:$0xB080]  }
0x195: {  	v61 =	vld [tilespmem:$0xBA00];
	v34 =	vmax.f32 v52, v53  }
0x196: {  	v63 =	vld [tilespmem:$0xBB80];
	v25 =	vmax.f32 v34, v55  }
0x197: {  	v25 =	vmax.f32 v25, v56;
	v58 =	vor.u32 $0x100, v21;
	v23 =	vld.idx.msk [tilespmem:v21+s21+$0x0], $0xffff  }
0x198: {  	v32 =	vand.u32 $0x7F, v62;
	v60 =	vor.u32 $0x280, v21;
	v25 =	vmax.f32 v25, v57;
	v28 =	vld.idx.msk [tilespmem:v46+s21+$0x0], $0xffff  }
0x199: {  	v25 =	vmax.f32 v25, v59;
	v30 =	vld.idx.msk [tilespmem:v48+s21+$0x0], $0xffff;
	v54 =	vmin.f32 v22, v43;
	v22 =	vmax.f32 v22, v43  }
0x19a: {  	v51 =	vld [tilespmem:$0xBB00];
	v25 =	vmax.f32 v25, v61;
	v36 =	vmin.f32 v54, v44;
	v22 =	vmax.f32 v22, v44  }
0x19b: {  	v25 =	vmax.f32 v25, v63;
	v36 =	vmin.f32 v36, v45;
	v22 =	vmax.f32 v22, v45  }
0x19c: {  	v37 =	vld.idx.msk [tilespmem:v58+s21+$0x0], $0xffff;
	v41 =	vsub.f32 v24, v23;
	v36 =	vmin.f32 v36, v47;
	v22 =	vmax.f32 v22, v47  }
0x19d: {  	v38 =	vld.idx.msk [tilespmem:v60+s21+$0x0], $0xffff;
	v43 =	vshll.u32 v62, $0x3;
	v36 =	vmin.f32 v36, v49;
	v22 =	vmax.f32 v22, v49  }
0x19e: {  	v60 =	vsub.f32 v30, v28;
	v49 =	vld [tilespmem:$0xB180];
	v36 =	vmin.f32 v36, v50;
	v22 =	vmax.f32 v22, v50  }
0x19f: {  	v43 =	vand.u32 $0xFFFFFC00, v43;
	v50 =	vld [tilespmem:$0xB300];
	v36 =	vmin.f32 v36, v51;
	v33 =	vmax.f32 v22, v51  }
0x1a0: {  	v44 =	vld [tilespmem:$0xB480];
	v39 =	vmul.f32 v60, v41;
	v22 =	vmin.f32 v24, v33;
	v48 =	vmax.f32 v23, v36  }
0x1a1: {  	v45 =	vld [tilespmem:$0xB600];
	v42 =	vsub.f32 v33, v36;
	v40 =	vsub.f32 v22, v48;
	v22 =	vmin.f32 v52, v53  }
0x1a2: {  	v51 =	vld [tilespmem:$0xB780];
	v24 =	vmax.f32 v24, v33;
	v23 =	vmin.f32 v23, v36;
	v22 =	vmin.f32 v22, v55  }
0x1a3: {  	v52 =	vld [tilespmem:$0xB900];
	v23 =	vsub.f32 v24, v23;
	v55 =	vmin.f32 v30, v25;
	v26 =	vmin.f32 v22, v56  }
0x1a4: {  	v53 =	vld [tilespmem:$0xBA80];
	v22 =	vor.u32 v32, v43;
	v58 =	vmin.f32 v49, v50;
	v34 =	vmax.f32 v49, v50  }
0x1a5: {  	v48 =	vld [tilespmem:$0xB390];
	v40 =	vmax.f32 v40, $0.0e+00;
	v26 =	vmin.f32 v26, v57;
	v32 =	vor.u32 $0x180, v22  }
0x1a6: {  	v56 =	vld [tilespmem:$0xBC00];
	v34 =	vmax.f32 v34, v44;
	v50 =	vor.u32 $0x80, v22;
	v26 =	vmin.f32 v26, v59  }
0x1a7: {  	v49 =	vld [tilespmem:$0xB510];
	v59 =	vmin.f32 v58, v44;
	v34 =	vmax.f32 v34, v45;
	v26 =	vmin.f32 v26, v61  }
0x1a8: {  	v36 =	vmin.f32 v59, v45;
	v61 =	vld [tilespmem:$0xB090];
	v27 =	vmax.f32 v34, v51;
	v54 =	vmin.f32 v26, v63  }
0x1a9: {  	v36 =	vmin.f32 v36, v51;
	v63 =	vld [tilespmem:$0xB210];
	v27 =	vmax.f32 v27, v52;
	v57 =	vmax.f32 v28, v54  }
0x1aa: {  	v51 =	vld [tilespmem:$0xB690];
	v62 =	vsub.f32 v25, v54;
	v25 =	vmax.f32 v30, v25;
	v47 =	vmin.f32 v36, v52  }
0x1ab: {  	v35 =	vld.idx.msk [tilespmem:v22+s21+$0x0], $0xffff;
	v27 =	vmax.f32 v27, v53;
	v52 =	vor.u32 $0x200, v22;
	v24 =	vmin.f32 v28, v54  }
0x1ac: {  	v54 =	vld [tilespmem:$0xB990];
	v26 =	vsub.f32 v55, v57;
	v30 =	vmin.f32 v47, v53;
	v27 =	vmax.f32 v27, v56  }
0x1ad: {  	v32 =	vld.idx.msk [tilespmem:v32+s21+$0x0], $0xffff;
	v24 =	vsub.f32 v25, v24;
	v30 =	vmin.f32 v30, v56;
	v53 =	vmin.f32 v38, v27  }
0x1ae: {  	v47 =	vld [tilespmem:$0xB810];
	v55 =	vmul.f32 v62, v42;
	v56 =	vsub.f32 v38, v37;
	v46 =	vmax.f32 v37, v30  }
0x1af: {  	v25 =	vld [tilespmem:$0xBB10];
	v26 =	vmax.f32 v26, $0.0e+00;
	v23 =	vmul.f32 v24, v23;
	v58 =	vsub.f32 v27, v30  }
0x1b0: {  	v36 =	vld.idx.msk [tilespmem:v50+s21+$0x0], $0xffff;
	v27 =	vmax.f32 v38, v27;
	v30 =	vmin.f32 v37, v30;
	v28 =	vsub.f32 v53, v46  }
0x1b1: {  	v42 =	vld [tilespmem:$0xB110];
	v26 =	vmul.f32 v26, v40;
	v57 =	vmul.f32 v56, v39;
	v59 =	vmax.f32 v61, v63  }
0x1b2: {  	v34 =	vmin.f32 v61, v63;
	v61 =	vld [tilespmem:$0xB290];
	v27 =	vsub.f32 v27, v30;
	v60 =	vmax.f32 v59, v48  }
0x1b3: {  	v63 =	vld [tilespmem:$0xB410];
	v29 =	vmin.f32 v34, v48;
	v28 =	vmax.f32 v28, $0.0e+00;
	v62 =	vmax.f32 v60, v49  }
0x1b4: {  	v53 =	vld [tilespmem:$0xB890];
	v29 =	vmin.f32 v29, v49;
	v49 =	vor.u32 $0x100, v22;
	v24 =	vmul.f32 v28, v26  }
0x1b5: {  	v26 =	vld.idx.msk [tilespmem:v52+s21+$0x0], $0xffff;
	v45 =	vmax.f32 v62, v51;
	v29 =	vmin.f32 v29, v51;
	v52 =	vmul.f32 v58, v55  }
0x1b6: {  	v48 =	vld [tilespmem:$0xB590];
	v23 =	vmul.f32 v27, v23;
	v50 =	vmax.f32 v45, v47;
	v29 =	vmin.f32 v29, v47  }
0x1b7: {  	v56 =	vld [tilespmem:$0xBA10];
	v30 =	vmax.f32 v50, v54;
	v54 =	vmin.f32 v29, v54;
	v28 =	vadd.f32 v52, v57  }
0x1b8: {  	v51 =	vld [tilespmem:$0xB710];
	v60 =	vmin.f32 v42, v61;
	v41 =	vmax.f32 v42, v61;
	v42 =	vsub.f32 v32, v35  }
0x1b9: {  	v58 =	vld [tilespmem:$0xBB90];
	v50 =	vor.u32 $0x280, v22;
	v55 =	vmax.f32 v30, v25;
	v25 =	vmin.f32 v54, v25  }
0x1ba: {  	v62 =	vld [tilespmem:$0xB190];
	v61 =	vmin.f32 v60, v63;
	v37 =	vmax.f32 v41, v63;
	v57 =	vmin.f32 v32, v55  }
0x1bb: {  	v63 =	vld [tilespmem:$0xB310];
	v59 =	vmax.f32 v35, v25;
	v40 =	vmin.f32 v61, v48;
	v34 =	vmax.f32 v37, v48  }
0x1bc: {  	v38 =	vld.idx.msk [tilespmem:v49+s21+$0x0], $0xffff;
	v48 =	vsub.f32 v55, v25;
	v29 =	vmax.f32 v32, v55;
	v25 =	vmin.f32 v35, v25  }
0x1bd: {  	v49 =	vld [tilespmem:$0xB490];
	v28 =	vsub.f32 v28, v24;
	v40 =	vmin.f32 v40, v51;
	v31 =	vmax.f32 v34, v51  }
0x1be: {  	v54 =	vld [tilespmem:$0xB910];
	v27 =	vsub.f32 v57, v59;
	v40 =	vmin.f32 v40, v53;
	v31 =	vmax.f32 v31, v53  }
0x1bf: {  	v51 =	vld [tilespmem:$0xB610];
	v25 =	vsub.f32 v29, v25;
	v52 =	vmin.f32 v40, v56;
	v30 =	vmax.f32 v31, v56  }
0x1c0: {  	v53 =	vld [tilespmem:$0xB790];
	v27 =	vmax.f32 v27, $0.0e+00;
	v32 =	vmin.f32 v52, v58;
	v30 =	vmax.f32 v30, v58  }
0x1c1: {  	v57 =	vld [tilespmem:$0xBA90];
	v56 =	vmin.f32 v62, v63;
	v37 =	vmax.f32 v62, v63;
	v63 =	vsub.f32 v26, v36  }
0x1c2: {  	v59 =	vld [tilespmem:$0xBC10];
	v55 =	vmin.f32 v26, v30;
	v58 =	vmax.f32 v36, v32;
	v40 =	vmin.f32 v56, v49  }
0x1c3: {  	v39 =	vld.idx.msk [tilespmem:v50+s21+$0x0], $0xffff;
	v34 =	vmax.f32 v37, v49;
	v44 =	vsub.f32 v30, v32;
	v26 =	vmax.f32 v26, v30  }
0x1c4: {  	v35 =	vsub.f32 v55, v58;
	v40 =	vmin.f32 v40, v51;
	v34 =	vmax.f32 v34, v51  }
0x1c5: {  	v40 =	vmin.f32 v40, v53;
	v31 =	vmax.f32 v34, v53;
	v34 =	vmul.f32 v63, v42  }
0x1c6: {  	v60 =	vmax.f32 v35, $0.0e+00;
	v61 =	vmin.f32 v40, v54;
	v31 =	vmax.f32 v31, v54  }
0x1c7: {  	v35 =	vmul.f32 v44, v48;
	v62 =	vmin.f32 v61, v57;
	v31 =	vmax.f32 v31, v57  }
0x1c8: {  	v46 =	vsub.f32 v39, v38;
	v33 =	vmin.f32 v62, v59;
	v31 =	vmax.f32 v31, v59  }
0x1c9: {  	v37 =	vmin.f32 v39, v31;
	v45 =	vmax.f32 v38, v33;
	v47 =	vsub.f32 v31, v33  }
0x1ca: {  	v32 =	vmin.f32 v36, v32;
	v27 =	vmul.f32 v60, v27;
	v37 =	vsub.f32 v37, v45  }
0x1cb: {  	v26 =	vsub.f32 v26, v32;
	v34 =	vmul.f32 v46, v34;
	v35 =	vmul.f32 v47, v35  }
0x1cc: {  	v48 =	vadd.f32 $1.000000010e-07, v28;
	v50 =	vmax.f32 v39, v31;
	v49 =	vmax.f32 v37, $0.0e+00  }
0x1cd: {  	v51 =	vmin.f32 v38, v33;
	v27 =	vmul.f32 v49, v27;
	v52 =	vadd.f32 v35, v34  }
0x1ce: {  	v53 =	vadd.f32 $1.000000010e-07, v23;
	v25 =	vmul.f32 v26, v25;
	v54 =	vsub.f32 v50, v51  }
0x1cf: {  	(erf) = vrcp.f32 v48;
	v55 =	vsub.f32 v52, v27  }
0x1d0: {  	(erf) = vrcp.f32 v53;
	v25 =	vmul.f32 v54, v25  }
0x1d1: {  	v56 =	vadd.f32 $1.000000010e-07, v55  }
0x1d2: {  	v21 =	vadd.s32 v19, v21;
	v57 =	vadd.f32 $1.000000010e-07, v25  }
0x1d3: {  	(erf) = vrcp.f32 v56  }
0x1d4: {  	(erf) = vrcp.f32 v57  }
0x1d5: {  	v22 =	vadd.s32 v20, v22;
	_ =	sdelay $0x1  }
0x1d6: {  	v58 =	vld.idx.msk [tilespmem:v21+s19+$0x0], $0xffff  }
0x1d7: {  	v21 =	vld.idx.msk [tilespmem:v21+s20+$0x0], $0xffff;
	v23 =	vsub.f32 v23, v28;
	v59 =	vpop (erf)  }
0x1d8: {  	v60 =	vpop (erf)  }
0x1d9: {  	v61 =	vld.idx.msk [tilespmem:v22+s19+$0x0], $0xffff;
	v24 =	vmul.f32 v59, v24;
	v23 =	vmul.f32 v23, v60;
	_ =	sdelay $0x1  }
0x1da: {  	v22 =	vld.idx.msk [tilespmem:v22+s20+$0x0], $0xffff;
	(xrf2) =	vadd.scan.msk.f32 $0xffff, v58;
	v63 =	vsub.f32 v25, v55;
	v23 =	vsub.f32 v24, v23;
	v62 =	vpop (erf)  }
0x1db: {  	(xrf2) =	vadd.scan.msk.f32 $0xffff, v21;
	v21 =	vpop (erf)  }
0x1dc: {  	(xrf2) =	vadd.scan.msk.f32 $0xffff, v23;
	v23 =	vmul.f32 v62, v27;
	v21 =	vmul.f32 v63, v21  }
0x1dd: {  	(xrf2) =	vadd.scan.msk.f32 $0xffff, v61  }
0x1de: {  	v21 =	vsub.f32 v23, v21  }
0x1df: {  	(xrf2) =	vadd.scan.msk.f32 $0xffff, v22  }
0x1e0: {  	(xrf2) =	vadd.scan.msk.f32 $0xffff, v21;
	_ =	sdelay $0x3  }
0x1e1: {  	v21, _, _ =	vpop (xrf2)  }
0x1e2: {  	v22, _, _ =	vpop (xrf2);
	(v2sf) =	vpush v21, $0xF  }
0x1e3: {  	v21, _, _ =	vpop (xrf2);
	(v2sf) =	vpush v22, $0xF  }
0x1e4: {  	v22, _, _ =	vpop (xrf2);
	(v2sf) =	vpush v21, $0xF  }
0x1e5: {  	(v2sf) =	vpush v22, $0xF  }
0x1e6: {  	v21, _, _ =	vpop (xrf2)  }
0x1e7: {  	(v2sf) =	vpush v21, $0xF;
	v21, _, _ =	vpop (xrf2)  }
0x1e8: {  	(v2sf) =	vpush v21, $0xF;
	_ =	sdelay $0x8  }
0x1e9: {  	s26 =	spop (v2sf)  }
0x1ea: {  	s1 =	spop (v2sf)  }
0x1eb: {  	s0 =	sadd.f32 $0.0e+00, s26;
	s12 =	spop (v2sf)  }
0x1ec: {  	s1 =	sadd.f32 $0.0e+00, s1;
	s28 =	spop (v2sf)  }
0x1ed: {  	s0 =	sadd.f32 s28, s0  }
0x1ee: {  	s12 =	sadd.f32 $0.0e+00, s12;
	s29 =	spop (v2sf)  }
0x1ef: {  	s1 =	sadd.f32 s29, s1;
	v21 =	vmov s0;
	s30 =	spop (v2sf)  }
0x1f0: {  	v21 =	vnsel vm0, $0x0, v21;
	s31 =	sadd.f32 s30, s12  }
0x1f1: {  	s23 =	sadd.s32 $0x1, s23;
	v21 =	vsel vm1, s1, v21  }
0x1f2: {  	p0 =	sne.s32 s23, s10;
	v21 =	vsel vm2, s31, v21  }
.Ltmp5:
0x1f3: {  	[tilespmem:$0x12600] =	vst v21;
	(pc) =	sbr.rel @p0 .LBB2_2-.Ltmp5, $4  }
0x1f4: {  	[hbm4b:s8+s2] =	stream.linear.scatter [tilespmem:s22], [sflag:$0x1], $0x80, $0x38;
	[tilespmem:$0x12680] =	vst v63  }
0x1f5: {  	_ =	swait.ge [sflag:s11], $0x80  }
0x1f6: {  	[sflag:s11] =	ssyncset.done $0x0  }
0x1f7: {  	[sflag:s11] =	ssyncadd.s32 $0xFFFFFF80  }
.LBB2_11:
0x1f8: {  	_ =	sfence.sel $0x180000  }
0x1f9: {  	[bflag:$0x0] =	sbarrier.arrive $0xFFFF  }
0x1fa: {  	_ =	strace $0x90000047  }
0x1fb: {  	s0 =	stileid.u32;
	[bflag:$0x2] =	sbarrier.arrive $0xFFFF  }
0x1fc: {  	p0 =	sne.s32 s0, $0x0;
	s0 =	rddreg [dreg:$0x2]  }
0x1fd: {  	s0 =	sadd.s32 @!p0 $0x100000, s0  }
0x1fe: {  	[sflag:s0] =	ssyncadd.tile.s32 @!p0 $0x1;
	_ =	shalt  }
.Lfunc_end2:
_tile_overlayer_lowered:
.L_overlay_start_2:
0x1ff: {  	(tag) =	ssettag $0x2  }
0x200: {  	s0 =	rddreg [dreg:$0x0];
	s2 =	stileid.u32  }
0x201: {  	s1 =	rddreg [dreg:$0x1];
	p0 =	sne.s32 s2, $0x0  }
0x202: {  	s3 =	rddreg [dreg:$0x2];
	[bflag:$0x3] =	sbarrier.arrive $0xFFFF;
	s2 =	simm.s32 @!p0 $0x1C01  }
0x203: {  	[timem:s3], [sflag:s2] =	dma.local @!p0 [hbm:s0], s1  }
0x204: {  	s0 =	simm.s32 @!p0 $0x1  }
0x205: {  	_ =	swait.ge @!p0 [sflag:s0], s1  }
0x206: {  	s1 =	ssub.s32 @!p0 $0x0, s1;
	[sflag:s0] =	ssyncset.done @!p0 $0x0  }
0x207: {  	[sflag:s0] =	ssyncadd.s32 @!p0 s1  }
0x208: {  	[bflag:$0x3] =	sbarrier.arrive $0xFFFF  }
0x209: {  	_ =	shalt  }

</sc_bundles>
